<compile_context>
chip_gen: v7x
topology: tpu7x:2x2x1
jax: 0.10.2.dev20260603
libtpu: 0.0.44.dev20260713+nightly
codegen_flags: <defaults>
</compile_context>

<pallas_src>
import functools

import numpy as np
import jax
import jax.numpy as jnp
from jax import lax
from jax.experimental import pallas as pl
from jax.experimental.pallas import tpu as pltpu
from jax.experimental.pallas import tpu_sc as plsc

EMBED = 128
LANES = 16
NC, NS = 2, 16
NW = NC * NS
NSB = 3
HALF = 100


def _positional_encoding_np(length: int, depth: int) -> np.ndarray:
    half = depth // 2
    positions = np.arange(length, dtype=np.float32)[:, None]
    depths = (np.arange(half, dtype=np.float32)[None, :] / float(half))
    angle_rates = (1.0 / (10000.0 ** depths)).astype(np.float32)
    angle_rads = positions * angle_rates
    return np.concatenate(
        [np.sin(angle_rads), np.cos(angle_rads)], axis=-1
    ).astype(np.float32)


@functools.cache
def _make_sc_kernel(batch: int, seq: int):
    spw = batch // NW
    halves = seq // HALF
    main = spw - spw % NSB
    mesh = plsc.VectorSubcoreMesh(
        core_axis_name="c", subcore_axis_name="s",
        num_cores=NC, num_subcores=NS,
    )

    @functools.partial(
        pl.kernel,
        out_type=jax.ShapeDtypeStruct((batch, seq, EMBED), jnp.float32),
        mesh=mesh,
        scratch_types=[
            pltpu.VMEM((spw * halves, HALF), jnp.int32),
            pltpu.VMEM((NSB, seq, EMBED), jnp.float32),
            pltpu.VMEM((seq, EMBED), jnp.float32),
        ] + [pltpu.SemaphoreType.DMA] * (2 * NSB),
    )
    def sc_kernel(idx_hbm, table_hbm, pe_hbm, out_hbm, idx_v, rows_v, pe_v,
                  *sems):
        gsem = sems[:NSB]
        ssem = sems[NSB:]
        wid = lax.axis_index("s") * NC + lax.axis_index("c")
        pltpu.sync_copy(idx_hbm.at[wid], idx_v)
        pltpu.sync_copy(pe_hbm, pe_v)

        def gather(si, b):
            for h in range(halves):
                pltpu.async_copy(
                    table_hbm.at[idx_v.at[si * halves + h]],
                    rows_v.at[b, pl.ds(h * HALF, HALF)], gsem[b])

        def wait_gather(si, b):
            for h in range(halves):
                pltpu.make_async_copy(
                    table_hbm.at[idx_v.at[si * halves + h]],
                    rows_v.at[b, pl.ds(h * HALF, HALF)], gsem[b]).wait()

        def add_pe(b):
            def row_body(r, _):
                for j in range(EMBED // LANES):
                    sl = pl.ds(j * LANES, LANES)
                    plsc.addupdate(rows_v.at[b, r, sl], pe_v[r, sl])
                return 0

            lax.fori_loop(0, seq, row_body, 0, unroll=2)

        def store(si, b):
            pltpu.async_copy(rows_v.at[b], out_hbm.at[wid * spw + si], ssem[b])

        def wait_store(si, b):
            pltpu.make_async_copy(
                rows_v.at[b], out_hbm.at[wid * spw + si], ssem[b]).wait()

        def step(si, b):
            wait_gather(si, b)
            cg = si + NSB - 1
            bb = (b + NSB - 1) % NSB

            @pl.when(jnp.logical_and(cg >= NSB, cg < spw))
            def _():
                wait_store(si - 1, bb)
                gather(cg, bb)

            add_pe(b)
            store(si, b)

        for b in range(NSB):
            gather(b, b)

        @pl.loop(0, main, step=NSB)
        def _(si0):
            for b in range(NSB):
                step(si0 + b, b)

        for si in range(main, spw):
            step(si, si % NSB)

        for si in range(spw - NSB, spw):
            wait_store(si, si % NSB)

    return sc_kernel


def kernel(x, table):
    batch, seq = x.shape
    idx = x.reshape(NW, (batch // NW) * (seq // HALF), HALF).astype(jnp.int32)
    pe = jnp.asarray(_positional_encoding_np(seq, EMBED))
    sc = _make_sc_kernel(batch, seq)
    return sc(idx, table, pe)

# --- scband reference (transcript-rebuilt; emitter-appended) ---
"""Pipeline reference for scband-positional-embedding-81063212745171 (READ-ONLY COPY).

The authoritative reference and input builder live on the scoring server;
editing this copy changes nothing except your own understanding.
"""

import jax, jax.numpy as jnp
import numpy as np

VOCAB = 100000
EMBED = 128

def positional_encoding(length, depth):
    half = depth / 2
    positions = jnp.arange(length, dtype=jnp.float32)[:, None]
    depths = jnp.arange(half, dtype=jnp.float32)[None, :] / half
    angle_rates = 1.0 / (10000.0 ** depths)
    angle_rads = positions * angle_rates
    pos = jnp.concatenate([jnp.sin(angle_rads), jnp.cos(angle_rads)], axis=-1)
    return pos.astype(jnp.float32)


def setup_inputs(seed: int = 0) -> dict:
    key = jax.random.key(seed)
    k1, k2 = jax.random.split(key)
    x = jax.random.randint(k1, (1024, 200), 0, VOCAB, dtype=jnp.int32).astype(jnp.int64)
    # Keras 'uniform' initializer: U(-0.05, 0.05)
    table = jax.random.uniform(k2, (VOCAB, EMBED), minval=-0.05, maxval=0.05, dtype=jnp.float32)
    return {"x": x, "table": table}


def reference(x, table):
    length = x.shape[1]
    emb = jnp.take(table, x, axis=0)
    pe = positional_encoding(length, EMBED)
    return emb + pe[None, :, :]

if __name__ == "__main__":
    import jax
    _d = setup_inputs()
    print(jax.jit(kernel)(*tuple(_d.values())))

</pallas_src>

<mosaic_0001>
#map = affine_map<(d0, d1) -> (0, 0, 0)>
#map1 = affine_map<(d0, d1) -> (0, 0)>
module attributes {stable_mosaic.version = 14 : i64} {
  func.func @sc_kernel(%arg0: i32, %arg1: i32, %arg2: memref<32x64x100xi32, #tpu.memory_space<hbm>>, %arg3: memref<100000x128xf32, #tpu.memory_space<hbm>>, %arg4: memref<200x128xf32, #tpu.memory_space<hbm>>, %arg5: memref<1024x200x128xf32, #tpu.memory_space<hbm>>, %arg6: memref<64x100xi32, #tpu.memory_space<vmem>>, %arg7: memref<3x200x128xf32, #tpu.memory_space<vmem>>, %arg8: memref<200x128xf32, #tpu.memory_space<vmem>>, %arg9: memref<!tpu.dma_semaphore, #tpu.memory_space<semaphore_mem>>, %arg10: memref<!tpu.dma_semaphore, #tpu.memory_space<semaphore_mem>>, %arg11: memref<!tpu.dma_semaphore, #tpu.memory_space<semaphore_mem>>, %arg12: memref<!tpu.dma_semaphore, #tpu.memory_space<semaphore_mem>>, %arg13: memref<!tpu.dma_semaphore, #tpu.memory_space<semaphore_mem>>, %arg14: memref<!tpu.dma_semaphore, #tpu.memory_space<semaphore_mem>>) attributes {dimension_semantics = [#tpu.dimension_semantics<core_parallel>, #tpu.dimension_semantics<subcore_parallel>], iteration_bounds = array<i64: 2, 16>, scalar_prefetch = 0 : i64, scratch_operands = 9 : i64, tpu.core_type = #tpu.core_type<sc_vector_subcore>, window_params = [{transform_indices = #map}, {transform_indices = #map1}, {transform_indices = #map1}, {transform_indices = #map}]} {
    %mul3A = arith.constant 2 : i32
    %mul3A_0 = arith.muli %arg1, %mul3A : i32
    %add3A = arith.addi %mul3A_0, %arg0 : i32
    "tpu.region"() ({
      %run_scoped3A = tpu.sem_alloc : memref<!tpu.dma_semaphore, #tpu.memory_space<semaphore_mem>>
      %dma_start3A_251 = arith.constant 0 : i32
      %dma_start3A_252 = arith.constant 0 : i32
      %dma_start3A_253 = tpu.memref_slice %arg2[%add3A, %dma_start3A_251, %dma_start3A_252] : memref<32x64x100xi32, #tpu.memory_space<hbm>> -> memref<1x64x100xi32, #tpu.memory_space<hbm>>
      %dma_start3A_254 = tpu.memref_squeeze %dma_start3A_253 : memref<1x64x100xi32, #tpu.memory_space<hbm>> -> memref<64x100xi32, #tpu.memory_space<hbm>>
      %dma_start3A_255 = arith.constant 0 : i32
      %dma_start3A_256 = arith.constant 0 : i32
      %dma_start3A_257 = tpu.memref_slice %arg2[%add3A, %dma_start3A_255, %dma_start3A_256] : memref<32x64x100xi32, #tpu.memory_space<hbm>> -> memref<1x64x100xi32, #tpu.memory_space<hbm>>
      %dma_start3A_258 = tpu.memref_squeeze %dma_start3A_257 : memref<1x64x100xi32, #tpu.memory_space<hbm>> -> memref<64x100xi32, #tpu.memory_space<hbm>>
      tpu.enqueue_dma source(%dma_start3A_258 : memref<64x100xi32, #tpu.memory_space<hbm>>) target(%arg6 : memref<64x100xi32, #tpu.memory_space<vmem>>) target_semaphore(%run_scoped3A : memref<!tpu.dma_semaphore, #tpu.memory_space<semaphore_mem>>)
      %dma_wait3A_259 = arith.constant 0 : i32
      %dma_wait3A_260 = arith.constant 0 : i32
      %dma_wait3A_261 = tpu.memref_slice %arg2[%add3A, %dma_wait3A_259, %dma_wait3A_260] : memref<32x64x100xi32, #tpu.memory_space<hbm>> -> memref<1x64x100xi32, #tpu.memory_space<hbm>>
      %dma_wait3A_262 = tpu.memref_squeeze %dma_wait3A_261 : memref<1x64x100xi32, #tpu.memory_space<hbm>> -> memref<64x100xi32, #tpu.memory_space<hbm>>
      %dma_wait3A_263 = arith.constant 0 : i32
      %dma_wait3A_264 = arith.constant 0 : i32
      %dma_wait3A_265 = tpu.memref_slice %arg2[%add3A, %dma_wait3A_263, %dma_wait3A_264] : memref<32x64x100xi32, #tpu.memory_space<hbm>> -> memref<1x64x100xi32, #tpu.memory_space<hbm>>
      %dma_wait3A_266 = tpu.memref_squeeze %dma_wait3A_265 : memref<1x64x100xi32, #tpu.memory_space<hbm>> -> memref<64x100xi32, #tpu.memory_space<hbm>>
      tpu.wait_dma2 semaphore(%run_scoped3A : memref<!tpu.dma_semaphore, #tpu.memory_space<semaphore_mem>>) src(%dma_wait3A_266 : memref<64x100xi32, #tpu.memory_space<hbm>>) dst(%arg6 : memref<64x100xi32, #tpu.memory_space<vmem>>)
      tpu.yield
    }) : () -> ()
    "tpu.region"() ({
      %run_scoped3A = tpu.sem_alloc : memref<!tpu.dma_semaphore, #tpu.memory_space<semaphore_mem>>
      tpu.enqueue_dma source(%arg4 : memref<200x128xf32, #tpu.memory_space<hbm>>) target(%arg8 : memref<200x128xf32, #tpu.memory_space<vmem>>) target_semaphore(%run_scoped3A : memref<!tpu.dma_semaphore, #tpu.memory_space<semaphore_mem>>)
      tpu.wait_dma2 semaphore(%run_scoped3A : memref<!tpu.dma_semaphore, #tpu.memory_space<semaphore_mem>>) src(%arg4 : memref<200x128xf32, #tpu.memory_space<hbm>>) dst(%arg8 : memref<200x128xf32, #tpu.memory_space<vmem>>)
      tpu.yield
    }) : () -> ()
    %dma_start3A = arith.constant 0 : i32
    %dma_start3A_1 = arith.constant 0 : i32
    %dma_start3A_2 = arith.constant 0 : i32
    %dma_start3A_3 = arith.constant 0 : i32
    %dma_start3A_4 = tpu.memref_slice %arg7[%dma_start3A_1, %dma_start3A_2, %dma_start3A_3] : memref<3x200x128xf32, #tpu.memory_space<vmem>> -> memref<1x100x128xf32, #tpu.memory_space<vmem>>
    %dma_start3A_5 = tpu.memref_squeeze %dma_start3A_4 : memref<1x100x128xf32, #tpu.memory_space<vmem>> -> memref<100x128xf32, #tpu.memory_space<vmem>>
    %dma_start3A_6 = arith.constant 0 : i32
    %dma_start3A_7 = tpu.memref_slice %arg6[%dma_start3A, %dma_start3A_6] : memref<64x100xi32, #tpu.memory_space<vmem>> -> memref<1x100xi32, #tpu.memory_space<vmem>>
    %dma_start3A_8 = tpu.memref_squeeze %dma_start3A_7 : memref<1x100xi32, #tpu.memory_space<vmem>> -> memref<100xi32, #tpu.memory_space<vmem>>
    %dma_start3A_9 = arith.constant 0 : i32
    %dma_start3A_10 = arith.constant 0 : i32
    %dma_start3A_11 = tpu.memref_slice %arg3[%dma_start3A_9, %dma_start3A_10] : memref<100000x128xf32, #tpu.memory_space<hbm>> -> memref<100000x128xf32, #tpu.memory_space<hbm>>
    tpu.enqueue_indirect_dma source(%dma_start3A_11 : memref<100000x128xf32, #tpu.memory_space<hbm>>) target(%dma_start3A_5 : memref<100x128xf32, #tpu.memory_space<vmem>>) offsets(%dma_start3A_8 : memref<100xi32, #tpu.memory_space<vmem>>) semaphore(%arg9 : memref<!tpu.dma_semaphore, #tpu.memory_space<semaphore_mem>>)
    %dma_start3A_12 = arith.constant 1 : i32
    %dma_start3A_13 = arith.constant 0 : i32
    %dma_start3A_14 = arith.constant 100 : i32
    %dma_start3A_15 = arith.constant 0 : i32
    %dma_start3A_16 = tpu.memref_slice %arg7[%dma_start3A_13, %dma_start3A_14, %dma_start3A_15] : memref<3x200x128xf32, #tpu.memory_space<vmem>> -> memref<1x100x128xf32, #tpu.memory_space<vmem>>
    %dma_start3A_17 = tpu.memref_squeeze %dma_start3A_16 : memref<1x100x128xf32, #tpu.memory_space<vmem>> -> memref<100x128xf32, #tpu.memory_space<vmem>>
    %dma_start3A_18 = arith.constant 0 : i32
    %dma_start3A_19 = tpu.memref_slice %arg6[%dma_start3A_12, %dma_start3A_18] : memref<64x100xi32, #tpu.memory_space<vmem>> -> memref<1x100xi32, #tpu.memory_space<vmem>>
    %dma_start3A_20 = tpu.memref_squeeze %dma_start3A_19 : memref<1x100xi32, #tpu.memory_space<vmem>> -> memref<100xi32, #tpu.memory_space<vmem>>
    %dma_start3A_21 = arith.constant 0 : i32
    %dma_start3A_22 = arith.constant 0 : i32
    %dma_start3A_23 = tpu.memref_slice %arg3[%dma_start3A_21, %dma_start3A_22] : memref<100000x128xf32, #tpu.memory_space<hbm>> -> memref<100000x128xf32, #tpu.memory_space<hbm>>
    tpu.enqueue_indirect_dma source(%dma_start3A_23 : memref<100000x128xf32, #tpu.memory_space<hbm>>) target(%dma_start3A_17 : memref<100x128xf32, #tpu.memory_space<vmem>>) offsets(%dma_start3A_20 : memref<100xi32, #tpu.memory_space<vmem>>) semaphore(%arg9 : memref<!tpu.dma_semaphore, #tpu.memory_space<semaphore_mem>>)
    %dma_start3A_24 = arith.constant 2 : i32
    %dma_start3A_25 = arith.constant 1 : i32
    %dma_start3A_26 = arith.constant 0 : i32
    %dma_start3A_27 = arith.constant 0 : i32
    %dma_start3A_28 = tpu.memref_slice %arg7[%dma_start3A_25, %dma_start3A_26, %dma_start3A_27] : memref<3x200x128xf32, #tpu.memory_space<vmem>> -> memref<1x100x128xf32, #tpu.memory_space<vmem>>
    %dma_start3A_29 = tpu.memref_squeeze %dma_start3A_28 : memref<1x100x128xf32, #tpu.memory_space<vmem>> -> memref<100x128xf32, #tpu.memory_space<vmem>>
    %dma_start3A_30 = arith.constant 0 : i32
    %dma_start3A_31 = tpu.memref_slice %arg6[%dma_start3A_24, %dma_start3A_30] : memref<64x100xi32, #tpu.memory_space<vmem>> -> memref<1x100xi32, #tpu.memory_space<vmem>>
    %dma_start3A_32 = tpu.memref_squeeze %dma_start3A_31 : memref<1x100xi32, #tpu.memory_space<vmem>> -> memref<100xi32, #tpu.memory_space<vmem>>
    %dma_start3A_33 = arith.constant 0 : i32
    %dma_start3A_34 = arith.constant 0 : i32
    %dma_start3A_35 = tpu.memref_slice %arg3[%dma_start3A_33, %dma_start3A_34] : memref<100000x128xf32, #tpu.memory_space<hbm>> -> memref<100000x128xf32, #tpu.memory_space<hbm>>
    tpu.enqueue_indirect_dma source(%dma_start3A_35 : memref<100000x128xf32, #tpu.memory_space<hbm>>) target(%dma_start3A_29 : memref<100x128xf32, #tpu.memory_space<vmem>>) offsets(%dma_start3A_32 : memref<100xi32, #tpu.memory_space<vmem>>) semaphore(%arg10 : memref<!tpu.dma_semaphore, #tpu.memory_space<semaphore_mem>>)
    %dma_start3A_36 = arith.constant 3 : i32
    %dma_start3A_37 = arith.constant 1 : i32
    %dma_start3A_38 = arith.constant 100 : i32
    %dma_start3A_39 = arith.constant 0 : i32
    %dma_start3A_40 = tpu.memref_slice %arg7[%dma_start3A_37, %dma_start3A_38, %dma_start3A_39] : memref<3x200x128xf32, #tpu.memory_space<vmem>> -> memref<1x100x128xf32, #tpu.memory_space<vmem>>
    %dma_start3A_41 = tpu.memref_squeeze %dma_start3A_40 : memref<1x100x128xf32, #tpu.memory_space<vmem>> -> memref<100x128xf32, #tpu.memory_space<vmem>>
    %dma_start3A_42 = arith.constant 0 : i32
    %dma_start3A_43 = tpu.memref_slice %arg6[%dma_start3A_36, %dma_start3A_42] : memref<64x100xi32, #tpu.memory_space<vmem>> -> memref<1x100xi32, #tpu.memory_space<vmem>>
    %dma_start3A_44 = tpu.memref_squeeze %dma_start3A_43 : memref<1x100xi32, #tpu.memory_space<vmem>> -> memref<100xi32, #tpu.memory_space<vmem>>
    %dma_start3A_45 = arith.constant 0 : i32
    %dma_start3A_46 = arith.constant 0 : i32
    %dma_start3A_47 = tpu.memref_slice %arg3[%dma_start3A_45, %dma_start3A_46] : memref<100000x128xf32, #tpu.memory_space<hbm>> -> memref<100000x128xf32, #tpu.memory_space<hbm>>
    tpu.enqueue_indirect_dma source(%dma_start3A_47 : memref<100000x128xf32, #tpu.memory_space<hbm>>) target(%dma_start3A_41 : memref<100x128xf32, #tpu.memory_space<vmem>>) offsets(%dma_start3A_44 : memref<100xi32, #tpu.memory_space<vmem>>) semaphore(%arg10 : memref<!tpu.dma_semaphore, #tpu.memory_space<semaphore_mem>>)
    %dma_start3A_48 = arith.constant 4 : i32
    %dma_start3A_49 = arith.constant 2 : i32
    %dma_start3A_50 = arith.constant 0 : i32
    %dma_start3A_51 = arith.constant 0 : i32
    %dma_start3A_52 = tpu.memref_slice %arg7[%dma_start3A_49, %dma_start3A_50, %dma_start3A_51] : memref<3x200x128xf32, #tpu.memory_space<vmem>> -> memref<1x100x128xf32, #tpu.memory_space<vmem>>
    %dma_start3A_53 = tpu.memref_squeeze %dma_start3A_52 : memref<1x100x128xf32, #tpu.memory_space<vmem>> -> memref<100x128xf32, #tpu.memory_space<vmem>>
    %dma_start3A_54 = arith.constant 0 : i32
    %dma_start3A_55 = tpu.memref_slice %arg6[%dma_start3A_48, %dma_start3A_54] : memref<64x100xi32, #tpu.memory_space<vmem>> -> memref<1x100xi32, #tpu.memory_space<vmem>>
    %dma_start3A_56 = tpu.memref_squeeze %dma_start3A_55 : memref<1x100xi32, #tpu.memory_space<vmem>> -> memref<100xi32, #tpu.memory_space<vmem>>
    %dma_start3A_57 = arith.constant 0 : i32
    %dma_start3A_58 = arith.constant 0 : i32
    %dma_start3A_59 = tpu.memref_slice %arg3[%dma_start3A_57, %dma_start3A_58] : memref<100000x128xf32, #tpu.memory_space<hbm>> -> memref<100000x128xf32, #tpu.memory_space<hbm>>
    tpu.enqueue_indirect_dma source(%dma_start3A_59 : memref<100000x128xf32, #tpu.memory_space<hbm>>) target(%dma_start3A_53 : memref<100x128xf32, #tpu.memory_space<vmem>>) offsets(%dma_start3A_56 : memref<100xi32, #tpu.memory_space<vmem>>) semaphore(%arg11 : memref<!tpu.dma_semaphore, #tpu.memory_space<semaphore_mem>>)
    %dma_start3A_60 = arith.constant 5 : i32
    %dma_start3A_61 = arith.constant 2 : i32
    %dma_start3A_62 = arith.constant 100 : i32
    %dma_start3A_63 = arith.constant 0 : i32
    %dma_start3A_64 = tpu.memref_slice %arg7[%dma_start3A_61, %dma_start3A_62, %dma_start3A_63] : memref<3x200x128xf32, #tpu.memory_space<vmem>> -> memref<1x100x128xf32, #tpu.memory_space<vmem>>
    %dma_start3A_65 = tpu.memref_squeeze %dma_start3A_64 : memref<1x100x128xf32, #tpu.memory_space<vmem>> -> memref<100x128xf32, #tpu.memory_space<vmem>>
    %dma_start3A_66 = arith.constant 0 : i32
    %dma_start3A_67 = tpu.memref_slice %arg6[%dma_start3A_60, %dma_start3A_66] : memref<64x100xi32, #tpu.memory_space<vmem>> -> memref<1x100xi32, #tpu.memory_space<vmem>>
    %dma_start3A_68 = tpu.memref_squeeze %dma_start3A_67 : memref<1x100xi32, #tpu.memory_space<vmem>> -> memref<100xi32, #tpu.memory_space<vmem>>
    %dma_start3A_69 = arith.constant 0 : i32
    %dma_start3A_70 = arith.constant 0 : i32
    %dma_start3A_71 = tpu.memref_slice %arg3[%dma_start3A_69, %dma_start3A_70] : memref<100000x128xf32, #tpu.memory_space<hbm>> -> memref<100000x128xf32, #tpu.memory_space<hbm>>
    tpu.enqueue_indirect_dma source(%dma_start3A_71 : memref<100000x128xf32, #tpu.memory_space<hbm>>) target(%dma_start3A_65 : memref<100x128xf32, #tpu.memory_space<vmem>>) offsets(%dma_start3A_68 : memref<100xi32, #tpu.memory_space<vmem>>) semaphore(%arg11 : memref<!tpu.dma_semaphore, #tpu.memory_space<semaphore_mem>>)
    %scan3A = arith.constant 0 : i32
    %scan3A_72 = arith.constant 10 : i32
    %scan3A_73 = arith.addi %scan3A, %scan3A_72 : i32
    %scan3A_74 = arith.constant 1 : i32
    scf.for %scan3A_251 = %scan3A to %scan3A_73 step %scan3A_74  : i32 {
      %mul3A_252 = arith.constant 3 : i32
      %mul3A_253 = arith.muli %scan3A_251, %mul3A_252 : i32
      %add3A_254 = arith.constant 0 : i32
      %add3A_255 = arith.addi %add3A_254, %mul3A_253 : i32
      %add3A_256 = arith.constant 0 : i32
      %add3A_257 = arith.addi %add3A_255, %add3A_256 : i32
      %mul3A_258 = arith.constant 2 : i32
      %mul3A_259 = arith.muli %add3A_257, %mul3A_258 : i32
      %add3A_260 = arith.constant 0 : i32
      %add3A_261 = arith.addi %mul3A_259, %add3A_260 : i32
      %dma_wait3A_262 = arith.constant 0 : i32
      %dma_wait3A_263 = arith.constant 0 : i32
      %dma_wait3A_264 = arith.constant 0 : i32
      %dma_wait3A_265 = tpu.memref_slice %arg7[%dma_wait3A_262, %dma_wait3A_263, %dma_wait3A_264] : memref<3x200x128xf32, #tpu.memory_space<vmem>> -> memref<1x100x128xf32, #tpu.memory_space<vmem>>
      %dma_wait3A_266 = tpu.memref_squeeze %dma_wait3A_265 : memref<1x100x128xf32, #tpu.memory_space<vmem>> -> memref<100x128xf32, #tpu.memory_space<vmem>>
      %dma_wait3A_267 = arith.constant 0 : i32
      %dma_wait3A_268 = tpu.memref_slice %arg6[%add3A_261, %dma_wait3A_267] : memref<64x100xi32, #tpu.memory_space<vmem>> -> memref<1x100xi32, #tpu.memory_space<vmem>>
      %dma_wait3A_269 = tpu.memref_squeeze %dma_wait3A_268 : memref<1x100xi32, #tpu.memory_space<vmem>> -> memref<100xi32, #tpu.memory_space<vmem>>
      %dma_wait3A_270 = arith.constant 0 : i32
      %dma_wait3A_271 = arith.constant 0 : i32
      %dma_wait3A_272 = tpu.memref_slice %arg3[%dma_wait3A_270, %dma_wait3A_271] : memref<100000x128xf32, #tpu.memory_space<hbm>> -> memref<100000x128xf32, #tpu.memory_space<hbm>>
      tpu.wait_indirect_dma semaphore(%arg9 : memref<!tpu.dma_semaphore, #tpu.memory_space<semaphore_mem>>) src(%dma_wait3A_272 : memref<100000x128xf32, #tpu.memory_space<hbm>>) dst(%dma_wait3A_266 : memref<100x128xf32, #tpu.memory_space<vmem>>)
      %mul3A_273 = arith.constant 2 : i32
      %mul3A_274 = arith.muli %add3A_257, %mul3A_273 : i32
      %add3A_275 = arith.constant 1 : i32
      %add3A_276 = arith.addi %mul3A_274, %add3A_275 : i32
      %dma_wait3A_277 = arith.constant 0 : i32
      %dma_wait3A_278 = arith.constant 100 : i32
      %dma_wait3A_279 = arith.constant 0 : i32
      %dma_wait3A_280 = tpu.memref_slice %arg7[%dma_wait3A_277, %dma_wait3A_278, %dma_wait3A_279] : memref<3x200x128xf32, #tpu.memory_space<vmem>> -> memref<1x100x128xf32, #tpu.memory_space<vmem>>
      %dma_wait3A_281 = tpu.memref_squeeze %dma_wait3A_280 : memref<1x100x128xf32, #tpu.memory_space<vmem>> -> memref<100x128xf32, #tpu.memory_space<vmem>>
      %dma_wait3A_282 = arith.constant 0 : i32
      %dma_wait3A_283 = tpu.memref_slice %arg6[%add3A_276, %dma_wait3A_282] : memref<64x100xi32, #tpu.memory_space<vmem>> -> memref<1x100xi32, #tpu.memory_space<vmem>>
      %dma_wait3A_284 = tpu.memref_squeeze %dma_wait3A_283 : memref<1x100xi32, #tpu.memory_space<vmem>> -> memref<100xi32, #tpu.memory_space<vmem>>
      %dma_wait3A_285 = arith.constant 0 : i32
      %dma_wait3A_286 = arith.constant 0 : i32
      %dma_wait3A_287 = tpu.memref_slice %arg3[%dma_wait3A_285, %dma_wait3A_286] : memref<100000x128xf32, #tpu.memory_space<hbm>> -> memref<100000x128xf32, #tpu.memory_space<hbm>>
      tpu.wait_indirect_dma semaphore(%arg9 : memref<!tpu.dma_semaphore, #tpu.memory_space<semaphore_mem>>) src(%dma_wait3A_287 : memref<100000x128xf32, #tpu.memory_space<hbm>>) dst(%dma_wait3A_281 : memref<100x128xf32, #tpu.memory_space<vmem>>)
      %add3A_288 = arith.constant 3 : i32
      %add3A_289 = arith.addi %add3A_257, %add3A_288 : i32
      %sub3A = arith.constant 1 : i32
      %sub3A_290 = arith.subi %add3A_289, %sub3A : i32
      %ge3A = arith.constant 3 : i32
      %ge3A_291 = arith.cmpi sge, %sub3A_290, %ge3A : i32
      %lt3A = arith.constant 32 : i32
      %lt3A_292 = arith.cmpi slt, %sub3A_290, %lt3A : i32
      %and3A_293 = arith.andi %ge3A_291, %lt3A_292 : i1
      %convert_element_type3A_294 = arith.extui %and3A_293 : i1 to i32
      %cond3A_295 = arith.constant 0 : i32
      %cond3A_296 = arith.cmpi ne, %convert_element_type3A_294, %cond3A_295 : i32
      scf.if %cond3A_296 {
        %sub3A_466 = arith.constant 1 : i32
        %sub3A_467 = arith.subi %add3A_257, %sub3A_466 : i32
        %mul3A_468 = arith.constant 32 : i32
        %mul3A_469 = arith.muli %add3A, %mul3A_468 : i32
        %add3A_470 = arith.addi %mul3A_469, %sub3A_467 : i32
        %dma_wait3A_471 = arith.constant 2 : i32
        %dma_wait3A_472 = arith.constant 0 : i32
        %dma_wait3A_473 = arith.constant 0 : i32
        %dma_wait3A_474 = tpu.memref_slice %arg7[%dma_wait3A_471, %dma_wait3A_472, %dma_wait3A_473] : memref<3x200x128xf32, #tpu.memory_space<vmem>> -> memref<1x200x128xf32, #tpu.memory_space<vmem>>
        %dma_wait3A_475 = tpu.memref_squeeze %dma_wait3A_474 : memref<1x200x128xf32, #tpu.memory_space<vmem>> -> memref<200x128xf32, #tpu.memory_space<vmem>>
        %dma_wait3A_476 = arith.constant 0 : i32
        %dma_wait3A_477 = arith.constant 0 : i32
        %dma_wait3A_478 = tpu.memref_slice %arg5[%add3A_470, %dma_wait3A_476, %dma_wait3A_477] : memref<1024x200x128xf32, #tpu.memory_space<hbm>> -> memref<1x200x128xf32, #tpu.memory_space<hbm>>
        %dma_wait3A_479 = tpu.memref_squeeze %dma_wait3A_478 : memref<1x200x128xf32, #tpu.memory_space<hbm>> -> memref<200x128xf32, #tpu.memory_space<hbm>>
        %dma_wait3A_480 = arith.constant 0 : i32
        %dma_wait3A_481 = arith.constant 0 : i32
        %dma_wait3A_482 = tpu.memref_slice %arg5[%add3A_470, %dma_wait3A_480, %dma_wait3A_481] : memref<1024x200x128xf32, #tpu.memory_space<hbm>> -> memref<1x200x128xf32, #tpu.memory_space<hbm>>
        %dma_wait3A_483 = tpu.memref_squeeze %dma_wait3A_482 : memref<1x200x128xf32, #tpu.memory_space<hbm>> -> memref<200x128xf32, #tpu.memory_space<hbm>>
        %dma_wait3A_484 = arith.constant 0 : i32
        %dma_wait3A_485 = arith.constant 0 : i32
        %dma_wait3A_486 = tpu.memref_slice %arg7[%dma_wait3A_471, %dma_wait3A_484, %dma_wait3A_485] : memref<3x200x128xf32, #tpu.memory_space<vmem>> -> memref<1x200x128xf32, #tpu.memory_space<vmem>>
        %dma_wait3A_487 = tpu.memref_squeeze %dma_wait3A_486 : memref<1x200x128xf32, #tpu.memory_space<vmem>> -> memref<200x128xf32, #tpu.memory_space<vmem>>
        tpu.wait_dma2 semaphore(%arg14 : memref<!tpu.dma_semaphore, #tpu.memory_space<semaphore_mem>>) src(%dma_wait3A_487 : memref<200x128xf32, #tpu.memory_space<vmem>>) dst(%dma_wait3A_483 : memref<200x128xf32, #tpu.memory_space<hbm>>)
        %mul3A_488 = arith.constant 2 : i32
        %mul3A_489 = arith.muli %sub3A_290, %mul3A_488 : i32
        %add3A_490 = arith.constant 0 : i32
        %add3A_491 = arith.addi %mul3A_489, %add3A_490 : i32
        %dma_start3A_492 = arith.constant 2 : i32
        %dma_start3A_493 = arith.constant 0 : i32
        %dma_start3A_494 = arith.constant 0 : i32
        %dma_start3A_495 = tpu.memref_slice %arg7[%dma_start3A_492, %dma_start3A_493, %dma_start3A_494] : memref<3x200x128xf32, #tpu.memory_space<vmem>> -> memref<1x100x128xf32, #tpu.memory_space<vmem>>
        %dma_start3A_496 = tpu.memref_squeeze %dma_start3A_495 : memref<1x100x128xf32, #tpu.memory_space<vmem>> -> memref<100x128xf32, #tpu.memory_space<vmem>>
        %dma_start3A_497 = arith.constant 0 : i32
        %dma_start3A_498 = tpu.memref_slice %arg6[%add3A_491, %dma_start3A_497] : memref<64x100xi32, #tpu.memory_space<vmem>> -> memref<1x100xi32, #tpu.memory_space<vmem>>
        %dma_start3A_499 = tpu.memref_squeeze %dma_start3A_498 : memref<1x100xi32, #tpu.memory_space<vmem>> -> memref<100xi32, #tpu.memory_space<vmem>>
        %dma_start3A_500 = arith.constant 0 : i32
        %dma_start3A_501 = arith.constant 0 : i32
        %dma_start3A_502 = tpu.memref_slice %arg3[%dma_start3A_500, %dma_start3A_501] : memref<100000x128xf32, #tpu.memory_space<hbm>> -> memref<100000x128xf32, #tpu.memory_space<hbm>>
        tpu.enqueue_indirect_dma source(%dma_start3A_502 : memref<100000x128xf32, #tpu.memory_space<hbm>>) target(%dma_start3A_496 : memref<100x128xf32, #tpu.memory_space<vmem>>) offsets(%dma_start3A_499 : memref<100xi32, #tpu.memory_space<vmem>>) semaphore(%arg11 : memref<!tpu.dma_semaphore, #tpu.memory_space<semaphore_mem>>)
        %mul3A_503 = arith.constant 2 : i32
        %mul3A_504 = arith.muli %sub3A_290, %mul3A_503 : i32
        %add3A_505 = arith.constant 1 : i32
        %add3A_506 = arith.addi %mul3A_504, %add3A_505 : i32
        %dma_start3A_507 = arith.constant 2 : i32
        %dma_start3A_508 = arith.constant 100 : i32
        %dma_start3A_509 = arith.constant 0 : i32
        %dma_start3A_510 = tpu.memref_slice %arg7[%dma_start3A_507, %dma_start3A_508, %dma_start3A_509] : memref<3x200x128xf32, #tpu.memory_space<vmem>> -> memref<1x100x128xf32, #tpu.memory_space<vmem>>
        %dma_start3A_511 = tpu.memref_squeeze %dma_start3A_510 : memref<1x100x128xf32, #tpu.memory_space<vmem>> -> memref<100x128xf32, #tpu.memory_space<vmem>>
        %dma_start3A_512 = arith.constant 0 : i32
        %dma_start3A_513 = tpu.memref_slice %arg6[%add3A_506, %dma_start3A_512] : memref<64x100xi32, #tpu.memory_space<vmem>> -> memref<1x100xi32, #tpu.memory_space<vmem>>
        %dma_start3A_514 = tpu.memref_squeeze %dma_start3A_513 : memref<1x100xi32, #tpu.memory_space<vmem>> -> memref<100xi32, #tpu.memory_space<vmem>>
        %dma_start3A_515 = arith.constant 0 : i32
        %dma_start3A_516 = arith.constant 0 : i32
        %dma_start3A_517 = tpu.memref_slice %arg3[%dma_start3A_515, %dma_start3A_516] : memref<100000x128xf32, #tpu.memory_space<hbm>> -> memref<100000x128xf32, #tpu.memory_space<hbm>>
        tpu.enqueue_indirect_dma source(%dma_start3A_517 : memref<100000x128xf32, #tpu.memory_space<hbm>>) target(%dma_start3A_511 : memref<100x128xf32, #tpu.memory_space<vmem>>) offsets(%dma_start3A_514 : memref<100xi32, #tpu.memory_space<vmem>>) semaphore(%arg11 : memref<!tpu.dma_semaphore, #tpu.memory_space<semaphore_mem>>)
      } else {
      }
      %scan3A_297 = arith.constant 0 : i32
      %scan3A_298 = arith.constant 0 : i32
      %scan3A_299 = arith.constant 200 : i32
      %scan3A_300 = arith.addi %scan3A_298, %scan3A_299 : i32
      %scan3A_301 = arith.constant 2 : i32
      %scan3A_302 = scf.for %scan3A_466 = %scan3A_298 to %scan3A_300 step %scan3A_301 iter_args(%scan3A_467 = %scan3A_297) -> (i32)  : i32 {
        %get3A = arith.index_cast %scan3A_466 : i32 to index
        %get3A_468 = arith.constant 0 : index
        %get3A_469 = tpu.vector_load %arg8[%get3A, %get3A_468] {strides = array<i32>} : memref<200x128xf32, #tpu.memory_space<vmem>>, vector<1x16xf32>,
        %get3A_470 = vector.shape_cast %get3A_469 : vector<1x16xf32> to vector<16xf32>
        %swap3A = arith.constant 0 : i32
        %swap3A_471 = arith.index_cast %swap3A : i32 to index
        %swap3A_472 = arith.index_cast %scan3A_466 : i32 to index
        %swap3A_473 = arith.constant 0 : index
        %swap3A_474 = tpu.vector_load %arg7[%swap3A_471, %swap3A_472, %swap3A_473] {strides = array<i32>} : memref<3x200x128xf32, #tpu.memory_space<vmem>>, vector<1x1x16xf32>,
        %swap3A_475 = vector.shape_cast %swap3A_474 : vector<1x1x16xf32> to vector<16xf32>
        %swap3A_476 = vector.shape_cast %get3A_470 : vector<16xf32> to vector<1x1x16xf32>
        tpu.vector_store %arg7[%swap3A_471, %swap3A_472, %swap3A_473], %swap3A_476 {add = true, strides = array<i32>} : memref<3x200x128xf32, #tpu.memory_space<vmem>>, vector<1x1x16xf32>,
        %get3A_477 = arith.index_cast %scan3A_466 : i32 to index
        %get3A_478 = arith.constant 16 : index
        %get3A_479 = tpu.vector_load %arg8[%get3A_477, %get3A_478] {strides = array<i32>} : memref<200x128xf32, #tpu.memory_space<vmem>>, vector<1x16xf32>,
        %get3A_480 = vector.shape_cast %get3A_479 : vector<1x16xf32> to vector<16xf32>
        %swap3A_481 = arith.constant 0 : i32
        %swap3A_482 = arith.index_cast %swap3A_481 : i32 to index
        %swap3A_483 = arith.index_cast %scan3A_466 : i32 to index
        %swap3A_484 = arith.constant 16 : index
        %swap3A_485 = tpu.vector_load %arg7[%swap3A_482, %swap3A_483, %swap3A_484] {strides = array<i32>} : memref<3x200x128xf32, #tpu.memory_space<vmem>>, vector<1x1x16xf32>,
        %swap3A_486 = vector.shape_cast %swap3A_485 : vector<1x1x16xf32> to vector<16xf32>
        %swap3A_487 = vector.shape_cast %get3A_480 : vector<16xf32> to vector<1x1x16xf32>
        tpu.vector_store %arg7[%swap3A_482, %swap3A_483, %swap3A_484], %swap3A_487 {add = true, strides = array<i32>} : memref<3x200x128xf32, #tpu.memory_space<vmem>>, vector<1x1x16xf32>,
        %get3A_488 = arith.index_cast %scan3A_466 : i32 to index
        %get3A_489 = arith.constant 32 : index
        %get3A_490 = tpu.vector_load %arg8[%get3A_488, %get3A_489] {strides = array<i32>} : memref<200x128xf32, #tpu.memory_space<vmem>>, vector<1x16xf32>,
        %get3A_491 = vector.shape_cast %get3A_490 : vector<1x16xf32> to vector<16xf32>
        %swap3A_492 = arith.constant 0 : i32
        %swap3A_493 = arith.index_cast %swap3A_492 : i32 to index
        %swap3A_494 = arith.index_cast %scan3A_466 : i32 to index
        %swap3A_495 = arith.constant 32 : index
        %swap3A_496 = tpu.vector_load %arg7[%swap3A_493, %swap3A_494, %swap3A_495] {strides = array<i32>} : memref<3x200x128xf32, #tpu.memory_space<vmem>>, vector<1x1x16xf32>,
        %swap3A_497 = vector.shape_cast %swap3A_496 : vector<1x1x16xf32> to vector<16xf32>
        %swap3A_498 = vector.shape_cast %get3A_491 : vector<16xf32> to vector<1x1x16xf32>
        tpu.vector_store %arg7[%swap3A_493, %swap3A_494, %swap3A_495], %swap3A_498 {add = true, strides = array<i32>} : memref<3x200x128xf32, #tpu.memory_space<vmem>>, vector<1x1x16xf32>,
        %get3A_499 = arith.index_cast %scan3A_466 : i32 to index
        %get3A_500 = arith.constant 48 : index
        %get3A_501 = tpu.vector_load %arg8[%get3A_499, %get3A_500] {strides = array<i32>} : memref<200x128xf32, #tpu.memory_space<vmem>>, vector<1x16xf32>,
        %get3A_502 = vector.shape_cast %get3A_501 : vector<1x16xf32> to vector<16xf32>
        %swap3A_503 = arith.constant 0 : i32
        %swap3A_504 = arith.index_cast %swap3A_503 : i32 to index
        %swap3A_505 = arith.index_cast %scan3A_466 : i32 to index
        %swap3A_506 = arith.constant 48 : index
        %swap3A_507 = tpu.vector_load %arg7[%swap3A_504, %swap3A_505, %swap3A_506] {strides = array<i32>} : memref<3x200x128xf32, #tpu.memory_space<vmem>>, vector<1x1x16xf32>,
        %swap3A_508 = vector.shape_cast %swap3A_507 : vector<1x1x16xf32> to vector<16xf32>
        %swap3A_509 = vector.shape_cast %get3A_502 : vector<16xf32> to vector<1x1x16xf32>
        tpu.vector_store %arg7[%swap3A_504, %swap3A_505, %swap3A_506], %swap3A_509 {add = true, strides = array<i32>} : memref<3x200x128xf32, #tpu.memory_space<vmem>>, vector<1x1x16xf32>,
        %get3A_510 = arith.index_cast %scan3A_466 : i32 to index
        %get3A_511 = arith.constant 64 : index
        %get3A_512 = tpu.vector_load %arg8[%get3A_510, %get3A_511] {strides = array<i32>} : memref<200x128xf32, #tpu.memory_space<vmem>>, vector<1x16xf32>,
        %get3A_513 = vector.shape_cast %get3A_512 : vector<1x16xf32> to vector<16xf32>
        %swap3A_514 = arith.constant 0 : i32
        %swap3A_515 = arith.index_cast %swap3A_514 : i32 to index
        %swap3A_516 = arith.index_cast %scan3A_466 : i32 to index
        %swap3A_517 = arith.constant 64 : index
        %swap3A_518 = tpu.vector_load %arg7[%swap3A_515, %swap3A_516, %swap3A_517] {strides = array<i32>} : memref<3x200x128xf32, #tpu.memory_space<vmem>>, vector<1x1x16xf32>,
        %swap3A_519 = vector.shape_cast %swap3A_518 : vector<1x1x16xf32> to vector<16xf32>
        %swap3A_520 = vector.shape_cast %get3A_513 : vector<16xf32> to vector<1x1x16xf32>
        tpu.vector_store %arg7[%swap3A_515, %swap3A_516, %swap3A_517], %swap3A_520 {add = true, strides = array<i32>} : memref<3x200x128xf32, #tpu.memory_space<vmem>>, vector<1x1x16xf32>,
        %get3A_521 = arith.index_cast %scan3A_466 : i32 to index
        %get3A_522 = arith.constant 80 : index
        %get3A_523 = tpu.vector_load %arg8[%get3A_521, %get3A_522] {strides = array<i32>} : memref<200x128xf32, #tpu.memory_space<vmem>>, vector<1x16xf32>,
        %get3A_524 = vector.shape_cast %get3A_523 : vector<1x16xf32> to vector<16xf32>
        %swap3A_525 = arith.constant 0 : i32
        %swap3A_526 = arith.index_cast %swap3A_525 : i32 to index
        %swap3A_527 = arith.index_cast %scan3A_466 : i32 to index
        %swap3A_528 = arith.constant 80 : index
        %swap3A_529 = tpu.vector_load %arg7[%swap3A_526, %swap3A_527, %swap3A_528] {strides = array<i32>} : memref<3x200x128xf32, #tpu.memory_space<vmem>>, vector<1x1x16xf32>,
        %swap3A_530 = vector.shape_cast %swap3A_529 : vector<1x1x16xf32> to vector<16xf32>
        %swap3A_531 = vector.shape_cast %get3A_524 : vector<16xf32> to vector<1x1x16xf32>
        tpu.vector_store %arg7[%swap3A_526, %swap3A_527, %swap3A_528], %swap3A_531 {add = true, strides = array<i32>} : memref<3x200x128xf32, #tpu.memory_space<vmem>>, vector<1x1x16xf32>,
        %get3A_532 = arith.index_cast %scan3A_466 : i32 to index
        %get3A_533 = arith.constant 96 : index
        %get3A_534 = tpu.vector_load %arg8[%get3A_532, %get3A_533] {strides = array<i32>} : memref<200x128xf32, #tpu.memory_space<vmem>>, vector<1x16xf32>,
        %get3A_535 = vector.shape_cast %get3A_534 : vector<1x16xf32> to vector<16xf32>
        %swap3A_536 = arith.constant 0 : i32
        %swap3A_537 = arith.index_cast %swap3A_536 : i32 to index
        %swap3A_538 = arith.index_cast %scan3A_466 : i32 to index
        %swap3A_539 = arith.constant 96 : index
        %swap3A_540 = tpu.vector_load %arg7[%swap3A_537, %swap3A_538, %swap3A_539] {strides = array<i32>} : memref<3x200x128xf32, #tpu.memory_space<vmem>>, vector<1x1x16xf32>,
        %swap3A_541 = vector.shape_cast %swap3A_540 : vector<1x1x16xf32> to vector<16xf32>
        %swap3A_542 = vector.shape_cast %get3A_535 : vector<16xf32> to vector<1x1x16xf32>
        tpu.vector_store %arg7[%swap3A_537, %swap3A_538, %swap3A_539], %swap3A_542 {add = true, strides = array<i32>} : memref<3x200x128xf32, #tpu.memory_space<vmem>>, vector<1x1x16xf32>,
        %get3A_543 = arith.index_cast %scan3A_466 : i32 to index
        %get3A_544 = arith.constant 112 : index
        %get3A_545 = tpu.vector_load %arg8[%get3A_543, %get3A_544] {strides = array<i32>} : memref<200x128xf32, #tpu.memory_space<vmem>>, vector<1x16xf32>,
        %get3A_546 = vector.shape_cast %get3A_545 : vector<1x16xf32> to vector<16xf32>
        %swap3A_547 = arith.constant 0 : i32
        %swap3A_548 = arith.index_cast %swap3A_547 : i32 to index
        %swap3A_549 = arith.index_cast %scan3A_466 : i32 to index
        %swap3A_550 = arith.constant 112 : index
        %swap3A_551 = tpu.vector_load %arg7[%swap3A_548, %swap3A_549, %swap3A_550] {strides = array<i32>} : memref<3x200x128xf32, #tpu.memory_space<vmem>>, vector<1x1x16xf32>,
        %swap3A_552 = vector.shape_cast %swap3A_551 : vector<1x1x16xf32> to vector<16xf32>
        %swap3A_553 = vector.shape_cast %get3A_546 : vector<16xf32> to vector<1x1x16xf32>
        tpu.vector_store %arg7[%swap3A_548, %swap3A_549, %swap3A_550], %swap3A_553 {add = true, strides = array<i32>} : memref<3x200x128xf32, #tpu.memory_space<vmem>>, vector<1x1x16xf32>,
        %scan3A_554 = arith.constant 0 : i32
        %scan3A_555 = arith.constant 1 : i32
        %scan3A_556 = arith.addi %scan3A_466, %scan3A_555 : i32
        %get3A_557 = arith.index_cast %scan3A_556 : i32 to index
        %get3A_558 = arith.constant 0 : index
        %get3A_559 = tpu.vector_load %arg8[%get3A_557, %get3A_558] {strides = array<i32>} : memref<200x128xf32, #tpu.memory_space<vmem>>, vector<1x16xf32>,
        %get3A_560 = vector.shape_cast %get3A_559 : vector<1x16xf32> to vector<16xf32>
        %swap3A_561 = arith.constant 0 : i32
        %swap3A_562 = arith.index_cast %swap3A_561 : i32 to index
        %swap3A_563 = arith.index_cast %scan3A_556 : i32 to index
        %swap3A_564 = arith.constant 0 : index
        %swap3A_565 = tpu.vector_load %arg7[%swap3A_562, %swap3A_563, %swap3A_564] {strides = array<i32>} : memref<3x200x128xf32, #tpu.memory_space<vmem>>, vector<1x1x16xf32>,
        %swap3A_566 = vector.shape_cast %swap3A_565 : vector<1x1x16xf32> to vector<16xf32>
        %swap3A_567 = vector.shape_cast %get3A_560 : vector<16xf32> to vector<1x1x16xf32>
        tpu.vector_store %arg7[%swap3A_562, %swap3A_563, %swap3A_564], %swap3A_567 {add = true, strides = array<i32>} : memref<3x200x128xf32, #tpu.memory_space<vmem>>, vector<1x1x16xf32>,
        %get3A_568 = arith.index_cast %scan3A_556 : i32 to index
        %get3A_569 = arith.constant 16 : index
        %get3A_570 = tpu.vector_load %arg8[%get3A_568, %get3A_569] {strides = array<i32>} : memref<200x128xf32, #tpu.memory_space<vmem>>, vector<1x16xf32>,
        %get3A_571 = vector.shape_cast %get3A_570 : vector<1x16xf32> to vector<16xf32>
        %swap3A_572 = arith.constant 0 : i32
        %swap3A_573 = arith.index_cast %swap3A_572 : i32 to index
        %swap3A_574 = arith.index_cast %scan3A_556 : i32 to index
        %swap3A_575 = arith.constant 16 : index
        %swap3A_576 = tpu.vector_load %arg7[%swap3A_573, %swap3A_574, %swap3A_575] {strides = array<i32>} : memref<3x200x128xf32, #tpu.memory_space<vmem>>, vector<1x1x16xf32>,
        %swap3A_577 = vector.shape_cast %swap3A_576 : vector<1x1x16xf32> to vector<16xf32>
        %swap3A_578 = vector.shape_cast %get3A_571 : vector<16xf32> to vector<1x1x16xf32>
        tpu.vector_store %arg7[%swap3A_573, %swap3A_574, %swap3A_575], %swap3A_578 {add = true, strides = array<i32>} : memref<3x200x128xf32, #tpu.memory_space<vmem>>, vector<1x1x16xf32>,
        %get3A_579 = arith.index_cast %scan3A_556 : i32 to index
        %get3A_580 = arith.constant 32 : index
        %get3A_581 = tpu.vector_load %arg8[%get3A_579, %get3A_580] {strides = array<i32>} : memref<200x128xf32, #tpu.memory_space<vmem>>, vector<1x16xf32>,
        %get3A_582 = vector.shape_cast %get3A_581 : vector<1x16xf32> to vector<16xf32>
        %swap3A_583 = arith.constant 0 : i32
        %swap3A_584 = arith.index_cast %swap3A_583 : i32 to index
        %swap3A_585 = arith.index_cast %scan3A_556 : i32 to index
        %swap3A_586 = arith.constant 32 : index
        %swap3A_587 = tpu.vector_load %arg7[%swap3A_584, %swap3A_585, %swap3A_586] {strides = array<i32>} : memref<3x200x128xf32, #tpu.memory_space<vmem>>, vector<1x1x16xf32>,
        %swap3A_588 = vector.shape_cast %swap3A_587 : vector<1x1x16xf32> to vector<16xf32>
        %swap3A_589 = vector.shape_cast %get3A_582 : vector<16xf32> to vector<1x1x16xf32>
        tpu.vector_store %arg7[%swap3A_584, %swap3A_585, %swap3A_586], %swap3A_589 {add = true, strides = array<i32>} : memref<3x200x128xf32, #tpu.memory_space<vmem>>, vector<1x1x16xf32>,
        %get3A_590 = arith.index_cast %scan3A_556 : i32 to index
        %get3A_591 = arith.constant 48 : index
        %get3A_592 = tpu.vector_load %arg8[%get3A_590, %get3A_591] {strides = array<i32>} : memref<200x128xf32, #tpu.memory_space<vmem>>, vector<1x16xf32>,
        %get3A_593 = vector.shape_cast %get3A_592 : vector<1x16xf32> to vector<16xf32>
        %swap3A_594 = arith.constant 0 : i32
        %swap3A_595 = arith.index_cast %swap3A_594 : i32 to index
        %swap3A_596 = arith.index_cast %scan3A_556 : i32 to index
        %swap3A_597 = arith.constant 48 : index
        %swap3A_598 = tpu.vector_load %arg7[%swap3A_595, %swap3A_596, %swap3A_597] {strides = array<i32>} : memref<3x200x128xf32, #tpu.memory_space<vmem>>, vector<1x1x16xf32>,
        %swap3A_599 = vector.shape_cast %swap3A_598 : vector<1x1x16xf32> to vector<16xf32>
        %swap3A_600 = vector.shape_cast %get3A_593 : vector<16xf32> to vector<1x1x16xf32>
        tpu.vector_store %arg7[%swap3A_595, %swap3A_596, %swap3A_597], %swap3A_600 {add = true, strides = array<i32>} : memref<3x200x128xf32, #tpu.memory_space<vmem>>, vector<1x1x16xf32>,
        %get3A_601 = arith.index_cast %scan3A_556 : i32 to index
        %get3A_602 = arith.constant 64 : index
        %get3A_603 = tpu.vector_load %arg8[%get3A_601, %get3A_602] {strides = array<i32>} : memref<200x128xf32, #tpu.memory_space<vmem>>, vector<1x16xf32>,
        %get3A_604 = vector.shape_cast %get3A_603 : vector<1x16xf32> to vector<16xf32>
        %swap3A_605 = arith.constant 0 : i32
        %swap3A_606 = arith.index_cast %swap3A_605 : i32 to index
        %swap3A_607 = arith.index_cast %scan3A_556 : i32 to index
        %swap3A_608 = arith.constant 64 : index
        %swap3A_609 = tpu.vector_load %arg7[%swap3A_606, %swap3A_607, %swap3A_608] {strides = array<i32>} : memref<3x200x128xf32, #tpu.memory_space<vmem>>, vector<1x1x16xf32>,
        %swap3A_610 = vector.shape_cast %swap3A_609 : vector<1x1x16xf32> to vector<16xf32>
        %swap3A_611 = vector.shape_cast %get3A_604 : vector<16xf32> to vector<1x1x16xf32>
        tpu.vector_store %arg7[%swap3A_606, %swap3A_607, %swap3A_608], %swap3A_611 {add = true, strides = array<i32>} : memref<3x200x128xf32, #tpu.memory_space<vmem>>, vector<1x1x16xf32>,
        %get3A_612 = arith.index_cast %scan3A_556 : i32 to index
        %get3A_613 = arith.constant 80 : index
        %get3A_614 = tpu.vector_load %arg8[%get3A_612, %get3A_613] {strides = array<i32>} : memref<200x128xf32, #tpu.memory_space<vmem>>, vector<1x16xf32>,
        %get3A_615 = vector.shape_cast %get3A_614 : vector<1x16xf32> to vector<16xf32>
        %swap3A_616 = arith.constant 0 : i32
        %swap3A_617 = arith.index_cast %swap3A_616 : i32 to index
        %swap3A_618 = arith.index_cast %scan3A_556 : i32 to index
        %swap3A_619 = arith.constant 80 : index
        %swap3A_620 = tpu.vector_load %arg7[%swap3A_617, %swap3A_618, %swap3A_619] {strides = array<i32>} : memref<3x200x128xf32, #tpu.memory_space<vmem>>, vector<1x1x16xf32>,
        %swap3A_621 = vector.shape_cast %swap3A_620 : vector<1x1x16xf32> to vector<16xf32>
        %swap3A_622 = vector.shape_cast %get3A_615 : vector<16xf32> to vector<1x1x16xf32>
        tpu.vector_store %arg7[%swap3A_617, %swap3A_618, %swap3A_619], %swap3A_622 {add = true, strides = array<i32>} : memref<3x200x128xf32, #tpu.memory_space<vmem>>, vector<1x1x16xf32>,
        %get3A_623 = arith.index_cast %scan3A_556 : i32 to index
        %get3A_624 = arith.constant 96 : index
        %get3A_625 = tpu.vector_load %arg8[%get3A_623, %get3A_624] {strides = array<i32>} : memref<200x128xf32, #tpu.memory_space<vmem>>, vector<1x16xf32>,
        %get3A_626 = vector.shape_cast %get3A_625 : vector<1x16xf32> to vector<16xf32>
        %swap3A_627 = arith.constant 0 : i32
        %swap3A_628 = arith.index_cast %swap3A_627 : i32 to index
        %swap3A_629 = arith.index_cast %scan3A_556 : i32 to index
        %swap3A_630 = arith.constant 96 : index
        %swap3A_631 = tpu.vector_load %arg7[%swap3A_628, %swap3A_629, %swap3A_630] {strides = array<i32>} : memref<3x200x128xf32, #tpu.memory_space<vmem>>, vector<1x1x16xf32>,
        %swap3A_632 = vector.shape_cast %swap3A_631 : vector<1x1x16xf32> to vector<16xf32>
        %swap3A_633 = vector.shape_cast %get3A_626 : vector<16xf32> to vector<1x1x16xf32>
        tpu.vector_store %arg7[%swap3A_628, %swap3A_629, %swap3A_630], %swap3A_633 {add = true, strides = array<i32>} : memref<3x200x128xf32, #tpu.memory_space<vmem>>, vector<1x1x16xf32>,
        %get3A_634 = arith.index_cast %scan3A_556 : i32 to index
        %get3A_635 = arith.constant 112 : index
        %get3A_636 = tpu.vector_load %arg8[%get3A_634, %get3A_635] {strides = array<i32>} : memref<200x128xf32, #tpu.memory_space<vmem>>, vector<1x16xf32>,
        %get3A_637 = vector.shape_cast %get3A_636 : vector<1x16xf32> to vector<16xf32>
        %swap3A_638 = arith.constant 0 : i32
        %swap3A_639 = arith.index_cast %swap3A_638 : i32 to index
        %swap3A_640 = arith.index_cast %scan3A_556 : i32 to index
        %swap3A_641 = arith.constant 112 : index
        %swap3A_642 = tpu.vector_load %arg7[%swap3A_639, %swap3A_640, %swap3A_641] {strides = array<i32>} : memref<3x200x128xf32, #tpu.memory_space<vmem>>, vector<1x1x16xf32>,
        %swap3A_643 = vector.shape_cast %swap3A_642 : vector<1x1x16xf32> to vector<16xf32>
        %swap3A_644 = vector.shape_cast %get3A_637 : vector<16xf32> to vector<1x1x16xf32>
        tpu.vector_store %arg7[%swap3A_639, %swap3A_640, %swap3A_641], %swap3A_644 {add = true, strides = array<i32>} : memref<3x200x128xf32, #tpu.memory_space<vmem>>, vector<1x1x16xf32>,
        %scan3A_645 = arith.constant 0 : i32
        scf.yield %scan3A_645 : i32
      }
      %scan3A_303 = arith.constant 200 : i32
      %mul3A_304 = arith.constant 32 : i32
      %mul3A_305 = arith.muli %add3A, %mul3A_304 : i32
      %add3A_306 = arith.addi %mul3A_305, %add3A_257 : i32
      %dma_start3A_307 = arith.constant 0 : i32
      %dma_start3A_308 = arith.constant 0 : i32
      %dma_start3A_309 = arith.constant 0 : i32
      %dma_start3A_310 = tpu.memref_slice %arg7[%dma_start3A_307, %dma_start3A_308, %dma_start3A_309] : memref<3x200x128xf32, #tpu.memory_space<vmem>> -> memref<1x200x128xf32, #tpu.memory_space<vmem>>
      %dma_start3A_311 = tpu.memref_squeeze %dma_start3A_310 : memref<1x200x128xf32, #tpu.memory_space<vmem>> -> memref<200x128xf32, #tpu.memory_space<vmem>>
      %dma_start3A_312 = arith.constant 0 : i32
      %dma_start3A_313 = arith.constant 0 : i32
      %dma_start3A_314 = tpu.memref_slice %arg5[%add3A_306, %dma_start3A_312, %dma_start3A_313] : memref<1024x200x128xf32, #tpu.memory_space<hbm>> -> memref<1x200x128xf32, #tpu.memory_space<hbm>>
      %dma_start3A_315 = tpu.memref_squeeze %dma_start3A_314 : memref<1x200x128xf32, #tpu.memory_space<hbm>> -> memref<200x128xf32, #tpu.memory_space<hbm>>
      %dma_start3A_316 = arith.constant 0 : i32
      %dma_start3A_317 = arith.constant 0 : i32
      %dma_start3A_318 = tpu.memref_slice %arg5[%add3A_306, %dma_start3A_316, %dma_start3A_317] : memref<1024x200x128xf32, #tpu.memory_space<hbm>> -> memref<1x200x128xf32, #tpu.memory_space<hbm>>
      %dma_start3A_319 = tpu.memref_squeeze %dma_start3A_318 : memref<1x200x128xf32, #tpu.memory_space<hbm>> -> memref<200x128xf32, #tpu.memory_space<hbm>>
      %dma_start3A_320 = arith.constant 0 : i32
      %dma_start3A_321 = arith.constant 0 : i32
      %dma_start3A_322 = tpu.memref_slice %arg7[%dma_start3A_307, %dma_start3A_320, %dma_start3A_321] : memref<3x200x128xf32, #tpu.memory_space<vmem>> -> memref<1x200x128xf32, #tpu.memory_space<vmem>>
      %dma_start3A_323 = tpu.memref_squeeze %dma_start3A_322 : memref<1x200x128xf32, #tpu.memory_space<vmem>> -> memref<200x128xf32, #tpu.memory_space<vmem>>
      tpu.enqueue_dma source(%dma_start3A_323 : memref<200x128xf32, #tpu.memory_space<vmem>>) target(%dma_start3A_319 : memref<200x128xf32, #tpu.memory_space<hbm>>) target_semaphore(%arg12 : memref<!tpu.dma_semaphore, #tpu.memory_space<semaphore_mem>>)
      %add3A_324 = arith.constant 1 : i32
      %add3A_325 = arith.addi %add3A_255, %add3A_324 : i32
      %mul3A_326 = arith.constant 2 : i32
      %mul3A_327 = arith.muli %add3A_325, %mul3A_326 : i32
      %add3A_328 = arith.constant 0 : i32
      %add3A_329 = arith.addi %mul3A_327, %add3A_328 : i32
      %dma_wait3A_330 = arith.constant 1 : i32
      %dma_wait3A_331 = arith.constant 0 : i32
      %dma_wait3A_332 = arith.constant 0 : i32
      %dma_wait3A_333 = tpu.memref_slice %arg7[%dma_wait3A_330, %dma_wait3A_331, %dma_wait3A_332] : memref<3x200x128xf32, #tpu.memory_space<vmem>> -> memref<1x100x128xf32, #tpu.memory_space<vmem>>
      %dma_wait3A_334 = tpu.memref_squeeze %dma_wait3A_333 : memref<1x100x128xf32, #tpu.memory_space<vmem>> -> memref<100x128xf32, #tpu.memory_space<vmem>>
      %dma_wait3A_335 = arith.constant 0 : i32
      %dma_wait3A_336 = tpu.memref_slice %arg6[%add3A_329, %dma_wait3A_335] : memref<64x100xi32, #tpu.memory_space<vmem>> -> memref<1x100xi32, #tpu.memory_space<vmem>>
      %dma_wait3A_337 = tpu.memref_squeeze %dma_wait3A_336 : memref<1x100xi32, #tpu.memory_space<vmem>> -> memref<100xi32, #tpu.memory_space<vmem>>
      %dma_wait3A_338 = arith.constant 0 : i32
      %dma_wait3A_339 = arith.constant 0 : i32
      %dma_wait3A_340 = tpu.memref_slice %arg3[%dma_wait3A_338, %dma_wait3A_339] : memref<100000x128xf32, #tpu.memory_space<hbm>> -> memref<100000x128xf32, #tpu.memory_space<hbm>>
      tpu.wait_indirect_dma semaphore(%arg10 : memref<!tpu.dma_semaphore, #tpu.memory_space<semaphore_mem>>) src(%dma_wait3A_340 : memref<100000x128xf32, #tpu.memory_space<hbm>>) dst(%dma_wait3A_334 : memref<100x128xf32, #tpu.memory_space<vmem>>)
      %mul3A_341 = arith.constant 2 : i32
      %mul3A_342 = arith.muli %add3A_325, %mul3A_341 : i32
      %add3A_343 = arith.constant 1 : i32
      %add3A_344 = arith.addi %mul3A_342, %add3A_343 : i32
      %dma_wait3A_345 = arith.constant 1 : i32
      %dma_wait3A_346 = arith.constant 100 : i32
      %dma_wait3A_347 = arith.constant 0 : i32
      %dma_wait3A_348 = tpu.memref_slice %arg7[%dma_wait3A_345, %dma_wait3A_346, %dma_wait3A_347] : memref<3x200x128xf32, #tpu.memory_space<vmem>> -> memref<1x100x128xf32, #tpu.memory_space<vmem>>
      %dma_wait3A_349 = tpu.memref_squeeze %dma_wait3A_348 : memref<1x100x128xf32, #tpu.memory_space<vmem>> -> memref<100x128xf32, #tpu.memory_space<vmem>>
      %dma_wait3A_350 = arith.constant 0 : i32
      %dma_wait3A_351 = tpu.memref_slice %arg6[%add3A_344, %dma_wait3A_350] : memref<64x100xi32, #tpu.memory_space<vmem>> -> memref<1x100xi32, #tpu.memory_space<vmem>>
      %dma_wait3A_352 = tpu.memref_squeeze %dma_wait3A_351 : memref<1x100xi32, #tpu.memory_space<vmem>> -> memref<100xi32, #tpu.memory_space<vmem>>
      %dma_wait3A_353 = arith.constant 0 : i32
      %dma_wait3A_354 = arith.constant 0 : i32
      %dma_wait3A_355 = tpu.memref_slice %arg3[%dma_wait3A_353, %dma_wait3A_354] : memref<100000x128xf32, #tpu.memory_space<hbm>> -> memref<100000x128xf32, #tpu.memory_space<hbm>>
      tpu.wait_indirect_dma semaphore(%arg10 : memref<!tpu.dma_semaphore, #tpu.memory_space<semaphore_mem>>) src(%dma_wait3A_355 : memref<100000x128xf32, #tpu.memory_space<hbm>>) dst(%dma_wait3A_349 : memref<100x128xf32, #tpu.memory_space<vmem>>)
      %add3A_356 = arith.constant 3 : i32
      %add3A_357 = arith.addi %add3A_325, %add3A_356 : i32
      %sub3A_358 = arith.constant 1 : i32
      %sub3A_359 = arith.subi %add3A_357, %sub3A_358 : i32
      %ge3A_360 = arith.constant 3 : i32
      %ge3A_361 = arith.cmpi sge, %sub3A_359, %ge3A_360 : i32
      %lt3A_362 = arith.constant 32 : i32
      %lt3A_363 = arith.cmpi slt, %sub3A_359, %lt3A_362 : i32
      %and3A_364 = arith.andi %ge3A_361, %lt3A_363 : i1
      %convert_element_type3A_365 = arith.extui %and3A_364 : i1 to i32
      %cond3A_366 = arith.constant 0 : i32
      %cond3A_367 = arith.cmpi ne, %convert_element_type3A_365, %cond3A_366 : i32
      scf.if %cond3A_367 {
        %sub3A_466 = arith.constant 1 : i32
        %sub3A_467 = arith.subi %add3A_325, %sub3A_466 : i32
        %mul3A_468 = arith.constant 32 : i32
        %mul3A_469 = arith.muli %add3A, %mul3A_468 : i32
        %add3A_470 = arith.addi %mul3A_469, %sub3A_467 : i32
        %dma_wait3A_471 = arith.constant 0 : i32
        %dma_wait3A_472 = arith.constant 0 : i32
        %dma_wait3A_473 = arith.constant 0 : i32
        %dma_wait3A_474 = tpu.memref_slice %arg7[%dma_wait3A_471, %dma_wait3A_472, %dma_wait3A_473] : memref<3x200x128xf32, #tpu.memory_space<vmem>> -> memref<1x200x128xf32, #tpu.memory_space<vmem>>
        %dma_wait3A_475 = tpu.memref_squeeze %dma_wait3A_474 : memref<1x200x128xf32, #tpu.memory_space<vmem>> -> memref<200x128xf32, #tpu.memory_space<vmem>>
        %dma_wait3A_476 = arith.constant 0 : i32
        %dma_wait3A_477 = arith.constant 0 : i32
        %dma_wait3A_478 = tpu.memref_slice %arg5[%add3A_470, %dma_wait3A_476, %dma_wait3A_477] : memref<1024x200x128xf32, #tpu.memory_space<hbm>> -> memref<1x200x128xf32, #tpu.memory_space<hbm>>
        %dma_wait3A_479 = tpu.memref_squeeze %dma_wait3A_478 : memref<1x200x128xf32, #tpu.memory_space<hbm>> -> memref<200x128xf32, #tpu.memory_space<hbm>>
        %dma_wait3A_480 = arith.constant 0 : i32
        %dma_wait3A_481 = arith.constant 0 : i32
        %dma_wait3A_482 = tpu.memref_slice %arg5[%add3A_470, %dma_wait3A_480, %dma_wait3A_481] : memref<1024x200x128xf32, #tpu.memory_space<hbm>> -> memref<1x200x128xf32, #tpu.memory_space<hbm>>
        %dma_wait3A_483 = tpu.memref_squeeze %dma_wait3A_482 : memref<1x200x128xf32, #tpu.memory_space<hbm>> -> memref<200x128xf32, #tpu.memory_space<hbm>>
        %dma_wait3A_484 = arith.constant 0 : i32
        %dma_wait3A_485 = arith.constant 0 : i32
        %dma_wait3A_486 = tpu.memref_slice %arg7[%dma_wait3A_471, %dma_wait3A_484, %dma_wait3A_485] : memref<3x200x128xf32, #tpu.memory_space<vmem>> -> memref<1x200x128xf32, #tpu.memory_space<vmem>>
        %dma_wait3A_487 = tpu.memref_squeeze %dma_wait3A_486 : memref<1x200x128xf32, #tpu.memory_space<vmem>> -> memref<200x128xf32, #tpu.memory_space<vmem>>
        tpu.wait_dma2 semaphore(%arg12 : memref<!tpu.dma_semaphore, #tpu.memory_space<semaphore_mem>>) src(%dma_wait3A_487 : memref<200x128xf32, #tpu.memory_space<vmem>>) dst(%dma_wait3A_483 : memref<200x128xf32, #tpu.memory_space<hbm>>)
        %mul3A_488 = arith.constant 2 : i32
        %mul3A_489 = arith.muli %sub3A_359, %mul3A_488 : i32
        %add3A_490 = arith.constant 0 : i32
        %add3A_491 = arith.addi %mul3A_489, %add3A_490 : i32
        %dma_start3A_492 = arith.constant 0 : i32
        %dma_start3A_493 = arith.constant 0 : i32
        %dma_start3A_494 = arith.constant 0 : i32
        %dma_start3A_495 = tpu.memref_slice %arg7[%dma_start3A_492, %dma_start3A_493, %dma_start3A_494] : memref<3x200x128xf32, #tpu.memory_space<vmem>> -> memref<1x100x128xf32, #tpu.memory_space<vmem>>
        %dma_start3A_496 = tpu.memref_squeeze %dma_start3A_495 : memref<1x100x128xf32, #tpu.memory_space<vmem>> -> memref<100x128xf32, #tpu.memory_space<vmem>>
        %dma_start3A_497 = arith.constant 0 : i32
        %dma_start3A_498 = tpu.memref_slice %arg6[%add3A_491, %dma_start3A_497] : memref<64x100xi32, #tpu.memory_space<vmem>> -> memref<1x100xi32, #tpu.memory_space<vmem>>
        %dma_start3A_499 = tpu.memref_squeeze %dma_start3A_498 : memref<1x100xi32, #tpu.memory_space<vmem>> -> memref<100xi32, #tpu.memory_space<vmem>>
        %dma_start3A_500 = arith.constant 0 : i32
        %dma_start3A_501 = arith.constant 0 : i32
        %dma_start3A_502 = tpu.memref_slice %arg3[%dma_start3A_500, %dma_start3A_501] : memref<100000x128xf32, #tpu.memory_space<hbm>> -> memref<100000x128xf32, #tpu.memory_space<hbm>>
        tpu.enqueue_indirect_dma source(%dma_start3A_502 : memref<100000x128xf32, #tpu.memory_space<hbm>>) target(%dma_start3A_496 : memref<100x128xf32, #tpu.memory_space<vmem>>) offsets(%dma_start3A_499 : memref<100xi32, #tpu.memory_space<vmem>>) semaphore(%arg9 : memref<!tpu.dma_semaphore, #tpu.memory_space<semaphore_mem>>)
        %mul3A_503 = arith.constant 2 : i32
        %mul3A_504 = arith.muli %sub3A_359, %mul3A_503 : i32
        %add3A_505 = arith.constant 1 : i32
        %add3A_506 = arith.addi %mul3A_504, %add3A_505 : i32
        %dma_start3A_507 = arith.constant 0 : i32
        %dma_start3A_508 = arith.constant 100 : i32
        %dma_start3A_509 = arith.constant 0 : i32
        %dma_start3A_510 = tpu.memref_slice %arg7[%dma_start3A_507, %dma_start3A_508, %dma_start3A_509] : memref<3x200x128xf32, #tpu.memory_space<vmem>> -> memref<1x100x128xf32, #tpu.memory_space<vmem>>
        %dma_start3A_511 = tpu.memref_squeeze %dma_start3A_510 : memref<1x100x128xf32, #tpu.memory_space<vmem>> -> memref<100x128xf32, #tpu.memory_space<vmem>>
        %dma_start3A_512 = arith.constant 0 : i32
        %dma_start3A_513 = tpu.memref_slice %arg6[%add3A_506, %dma_start3A_512] : memref<64x100xi32, #tpu.memory_space<vmem>> -> memref<1x100xi32, #tpu.memory_space<vmem>>
        %dma_start3A_514 = tpu.memref_squeeze %dma_start3A_513 : memref<1x100xi32, #tpu.memory_space<vmem>> -> memref<100xi32, #tpu.memory_space<vmem>>
        %dma_start3A_515 = arith.constant 0 : i32
        %dma_start3A_516 = arith.constant 0 : i32
        %dma_start3A_517 = tpu.memref_slice %arg3[%dma_start3A_515, %dma_start3A_516] : memref<100000x128xf32, #tpu.memory_space<hbm>> -> memref<100000x128xf32, #tpu.memory_space<hbm>>
        tpu.enqueue_indirect_dma source(%dma_start3A_517 : memref<100000x128xf32, #tpu.memory_space<hbm>>) target(%dma_start3A_511 : memref<100x128xf32, #tpu.memory_space<vmem>>) offsets(%dma_start3A_514 : memref<100xi32, #tpu.memory_space<vmem>>) semaphore(%arg9 : memref<!tpu.dma_semaphore, #tpu.memory_space<semaphore_mem>>)
      } else {
      }
      %scan3A_368 = arith.constant 0 : i32
      %scan3A_369 = arith.constant 0 : i32
      %scan3A_370 = arith.constant 200 : i32
      %scan3A_371 = arith.addi %scan3A_369, %scan3A_370 : i32
      %scan3A_372 = arith.constant 2 : i32
      %scan3A_373 = scf.for %scan3A_466 = %scan3A_369 to %scan3A_371 step %scan3A_372 iter_args(%scan3A_467 = %scan3A_368) -> (i32)  : i32 {
        %get3A = arith.index_cast %scan3A_466 : i32 to index
        %get3A_468 = arith.constant 0 : index
        %get3A_469 = tpu.vector_load %arg8[%get3A, %get3A_468] {strides = array<i32>} : memref<200x128xf32, #tpu.memory_space<vmem>>, vector<1x16xf32>,
        %get3A_470 = vector.shape_cast %get3A_469 : vector<1x16xf32> to vector<16xf32>
        %swap3A = arith.constant 1 : i32
        %swap3A_471 = arith.index_cast %swap3A : i32 to index
        %swap3A_472 = arith.index_cast %scan3A_466 : i32 to index
        %swap3A_473 = arith.constant 0 : index
        %swap3A_474 = tpu.vector_load %arg7[%swap3A_471, %swap3A_472, %swap3A_473] {strides = array<i32>} : memref<3x200x128xf32, #tpu.memory_space<vmem>>, vector<1x1x16xf32>,
        %swap3A_475 = vector.shape_cast %swap3A_474 : vector<1x1x16xf32> to vector<16xf32>
        %swap3A_476 = vector.shape_cast %get3A_470 : vector<16xf32> to vector<1x1x16xf32>
        tpu.vector_store %arg7[%swap3A_471, %swap3A_472, %swap3A_473], %swap3A_476 {add = true, strides = array<i32>} : memref<3x200x128xf32, #tpu.memory_space<vmem>>, vector<1x1x16xf32>,
        %get3A_477 = arith.index_cast %scan3A_466 : i32 to index
        %get3A_478 = arith.constant 16 : index
        %get3A_479 = tpu.vector_load %arg8[%get3A_477, %get3A_478] {strides = array<i32>} : memref<200x128xf32, #tpu.memory_space<vmem>>, vector<1x16xf32>,
        %get3A_480 = vector.shape_cast %get3A_479 : vector<1x16xf32> to vector<16xf32>
        %swap3A_481 = arith.constant 1 : i32
        %swap3A_482 = arith.index_cast %swap3A_481 : i32 to index
        %swap3A_483 = arith.index_cast %scan3A_466 : i32 to index
        %swap3A_484 = arith.constant 16 : index
        %swap3A_485 = tpu.vector_load %arg7[%swap3A_482, %swap3A_483, %swap3A_484] {strides = array<i32>} : memref<3x200x128xf32, #tpu.memory_space<vmem>>, vector<1x1x16xf32>,
        %swap3A_486 = vector.shape_cast %swap3A_485 : vector<1x1x16xf32> to vector<16xf32>
        %swap3A_487 = vector.shape_cast %get3A_480 : vector<16xf32> to vector<1x1x16xf32>
        tpu.vector_store %arg7[%swap3A_482, %swap3A_483, %swap3A_484], %swap3A_487 {add = true, strides = array<i32>} : memref<3x200x128xf32, #tpu.memory_space<vmem>>, vector<1x1x16xf32>,
        %get3A_488 = arith.index_cast %scan3A_466 : i32 to index
        %get3A_489 = arith.constant 32 : index
        %get3A_490 = tpu.vector_load %arg8[%get3A_488, %get3A_489] {strides = array<i32>} : memref<200x128xf32, #tpu.memory_space<vmem>>, vector<1x16xf32>,
        %get3A_491 = vector.shape_cast %get3A_490 : vector<1x16xf32> to vector<16xf32>
        %swap3A_492 = arith.constant 1 : i32
        %swap3A_493 = arith.index_cast %swap3A_492 : i32 to index
        %swap3A_494 = arith.index_cast %scan3A_466 : i32 to index
        %swap3A_495 = arith.constant 32 : index
        %swap3A_496 = tpu.vector_load %arg7[%swap3A_493, %swap3A_494, %swap3A_495] {strides = array<i32>} : memref<3x200x128xf32, #tpu.memory_space<vmem>>, vector<1x1x16xf32>,
        %swap3A_497 = vector.shape_cast %swap3A_496 : vector<1x1x16xf32> to vector<16xf32>
        %swap3A_498 = vector.shape_cast %get3A_491 : vector<16xf32> to vector<1x1x16xf32>
        tpu.vector_store %arg7[%swap3A_493, %swap3A_494, %swap3A_495], %swap3A_498 {add = true, strides = array<i32>} : memref<3x200x128xf32, #tpu.memory_space<vmem>>, vector<1x1x16xf32>,
        %get3A_499 = arith.index_cast %scan3A_466 : i32 to index
        %get3A_500 = arith.constant 48 : index
        %get3A_501 = tpu.vector_load %arg8[%get3A_499, %get3A_500] {strides = array<i32>} : memref<200x128xf32, #tpu.memory_space<vmem>>, vector<1x16xf32>,
        %get3A_502 = vector.shape_cast %get3A_501 : vector<1x16xf32> to vector<16xf32>
        %swap3A_503 = arith.constant 1 : i32
        %swap3A_504 = arith.index_cast %swap3A_503 : i32 to index
        %swap3A_505 = arith.index_cast %scan3A_466 : i32 to index
        %swap3A_506 = arith.constant 48 : index
        %swap3A_507 = tpu.vector_load %arg7[%swap3A_504, %swap3A_505, %swap3A_506] {strides = array<i32>} : memref<3x200x128xf32, #tpu.memory_space<vmem>>, vector<1x1x16xf32>,
        %swap3A_508 = vector.shape_cast %swap3A_507 : vector<1x1x16xf32> to vector<16xf32>
        %swap3A_509 = vector.shape_cast %get3A_502 : vector<16xf32> to vector<1x1x16xf32>
        tpu.vector_store %arg7[%swap3A_504, %swap3A_505, %swap3A_506], %swap3A_509 {add = true, strides = array<i32>} : memref<3x200x128xf32, #tpu.memory_space<vmem>>, vector<1x1x16xf32>,
        %get3A_510 = arith.index_cast %scan3A_466 : i32 to index
        %get3A_511 = arith.constant 64 : index
        %get3A_512 = tpu.vector_load %arg8[%get3A_510, %get3A_511] {strides = array<i32>} : memref<200x128xf32, #tpu.memory_space<vmem>>, vector<1x16xf32>,
        %get3A_513 = vector.shape_cast %get3A_512 : vector<1x16xf32> to vector<16xf32>
        %swap3A_514 = arith.constant 1 : i32
        %swap3A_515 = arith.index_cast %swap3A_514 : i32 to index
        %swap3A_516 = arith.index_cast %scan3A_466 : i32 to index
        %swap3A_517 = arith.constant 64 : index
        %swap3A_518 = tpu.vector_load %arg7[%swap3A_515, %swap3A_516, %swap3A_517] {strides = array<i32>} : memref<3x200x128xf32, #tpu.memory_space<vmem>>, vector<1x1x16xf32>,
        %swap3A_519 = vector.shape_cast %swap3A_518 : vector<1x1x16xf32> to vector<16xf32>
        %swap3A_520 = vector.shape_cast %get3A_513 : vector<16xf32> to vector<1x1x16xf32>
        tpu.vector_store %arg7[%swap3A_515, %swap3A_516, %swap3A_517], %swap3A_520 {add = true, strides = array<i32>} : memref<3x200x128xf32, #tpu.memory_space<vmem>>, vector<1x1x16xf32>,
        %get3A_521 = arith.index_cast %scan3A_466 : i32 to index
        %get3A_522 = arith.constant 80 : index
        %get3A_523 = tpu.vector_load %arg8[%get3A_521, %get3A_522] {strides = array<i32>} : memref<200x128xf32, #tpu.memory_space<vmem>>, vector<1x16xf32>,
        %get3A_524 = vector.shape_cast %get3A_523 : vector<1x16xf32> to vector<16xf32>
        %swap3A_525 = arith.constant 1 : i32
        %swap3A_526 = arith.index_cast %swap3A_525 : i32 to index
        %swap3A_527 = arith.index_cast %scan3A_466 : i32 to index
        %swap3A_528 = arith.constant 80 : index
        %swap3A_529 = tpu.vector_load %arg7[%swap3A_526, %swap3A_527, %swap3A_528] {strides = array<i32>} : memref<3x200x128xf32, #tpu.memory_space<vmem>>, vector<1x1x16xf32>,
        %swap3A_530 = vector.shape_cast %swap3A_529 : vector<1x1x16xf32> to vector<16xf32>
        %swap3A_531 = vector.shape_cast %get3A_524 : vector<16xf32> to vector<1x1x16xf32>
        tpu.vector_store %arg7[%swap3A_526, %swap3A_527, %swap3A_528], %swap3A_531 {add = true, strides = array<i32>} : memref<3x200x128xf32, #tpu.memory_space<vmem>>, vector<1x1x16xf32>,
        %get3A_532 = arith.index_cast %scan3A_466 : i32 to index
        %get3A_533 = arith.constant 96 : index
        %get3A_534 = tpu.vector_load %arg8[%get3A_532, %get3A_533] {strides = array<i32>} : memref<200x128xf32, #tpu.memory_space<vmem>>, vector<1x16xf32>,
        %get3A_535 = vector.shape_cast %get3A_534 : vector<1x16xf32> to vector<16xf32>
        %swap3A_536 = arith.constant 1 : i32
        %swap3A_537 = arith.index_cast %swap3A_536 : i32 to index
        %swap3A_538 = arith.index_cast %scan3A_466 : i32 to index
        %swap3A_539 = arith.constant 96 : index
        %swap3A_540 = tpu.vector_load %arg7[%swap3A_537, %swap3A_538, %swap3A_539] {strides = array<i32>} : memref<3x200x128xf32, #tpu.memory_space<vmem>>, vector<1x1x16xf32>,
        %swap3A_541 = vector.shape_cast %swap3A_540 : vector<1x1x16xf32> to vector<16xf32>
        %swap3A_542 = vector.shape_cast %get3A_535 : vector<16xf32> to vector<1x1x16xf32>
        tpu.vector_store %arg7[%swap3A_537, %swap3A_538, %swap3A_539], %swap3A_542 {add = true, strides = array<i32>} : memref<3x200x128xf32, #tpu.memory_space<vmem>>, vector<1x1x16xf32>,
        %get3A_543 = arith.index_cast %scan3A_466 : i32 to index
        %get3A_544 = arith.constant 112 : index
        %get3A_545 = tpu.vector_load %arg8[%get3A_543, %get3A_544] {strides = array<i32>} : memref<200x128xf32, #tpu.memory_space<vmem>>, vector<1x16xf32>,
        %get3A_546 = vector.shape_cast %get3A_545 : vector<1x16xf32> to vector<16xf32>
        %swap3A_547 = arith.constant 1 : i32
        %swap3A_548 = arith.index_cast %swap3A_547 : i32 to index
        %swap3A_549 = arith.index_cast %scan3A_466 : i32 to index
        %swap3A_550 = arith.constant 112 : index
        %swap3A_551 = tpu.vector_load %arg7[%swap3A_548, %swap3A_549, %swap3A_550] {strides = array<i32>} : memref<3x200x128xf32, #tpu.memory_space<vmem>>, vector<1x1x16xf32>,
        %swap3A_552 = vector.shape_cast %swap3A_551 : vector<1x1x16xf32> to vector<16xf32>
        %swap3A_553 = vector.shape_cast %get3A_546 : vector<16xf32> to vector<1x1x16xf32>
        tpu.vector_store %arg7[%swap3A_548, %swap3A_549, %swap3A_550], %swap3A_553 {add = true, strides = array<i32>} : memref<3x200x128xf32, #tpu.memory_space<vmem>>, vector<1x1x16xf32>,
        %scan3A_554 = arith.constant 0 : i32
        %scan3A_555 = arith.constant 1 : i32
        %scan3A_556 = arith.addi %scan3A_466, %scan3A_555 : i32
        %get3A_557 = arith.index_cast %scan3A_556 : i32 to index
        %get3A_558 = arith.constant 0 : index
        %get3A_559 = tpu.vector_load %arg8[%get3A_557, %get3A_558] {strides = array<i32>} : memref<200x128xf32, #tpu.memory_space<vmem>>, vector<1x16xf32>,
        %get3A_560 = vector.shape_cast %get3A_559 : vector<1x16xf32> to vector<16xf32>
        %swap3A_561 = arith.constant 1 : i32
        %swap3A_562 = arith.index_cast %swap3A_561 : i32 to index
        %swap3A_563 = arith.index_cast %scan3A_556 : i32 to index
        %swap3A_564 = arith.constant 0 : index
        %swap3A_565 = tpu.vector_load %arg7[%swap3A_562, %swap3A_563, %swap3A_564] {strides = array<i32>} : memref<3x200x128xf32, #tpu.memory_space<vmem>>, vector<1x1x16xf32>,
        %swap3A_566 = vector.shape_cast %swap3A_565 : vector<1x1x16xf32> to vector<16xf32>
        %swap3A_567 = vector.shape_cast %get3A_560 : vector<16xf32> to vector<1x1x16xf32>
        tpu.vector_store %arg7[%swap3A_562, %swap3A_563, %swap3A_564], %swap3A_567 {add = true, strides = array<i32>} : memref<3x200x128xf32, #tpu.memory_space<vmem>>, vector<1x1x16xf32>,
        %get3A_568 = arith.index_cast %scan3A_556 : i32 to index
        %get3A_569 = arith.constant 16 : index
        %get3A_570 = tpu.vector_load %arg8[%get3A_568, %get3A_569] {strides = array<i32>} : memref<200x128xf32, #tpu.memory_space<vmem>>, vector<1x16xf32>,
        %get3A_571 = vector.shape_cast %get3A_570 : vector<1x16xf32> to vector<16xf32>
        %swap3A_572 = arith.constant 1 : i32
        %swap3A_573 = arith.index_cast %swap3A_572 : i32 to index
        %swap3A_574 = arith.index_cast %scan3A_556 : i32 to index
        %swap3A_575 = arith.constant 16 : index
        %swap3A_576 = tpu.vector_load %arg7[%swap3A_573, %swap3A_574, %swap3A_575] {strides = array<i32>} : memref<3x200x128xf32, #tpu.memory_space<vmem>>, vector<1x1x16xf32>,
        %swap3A_577 = vector.shape_cast %swap3A_576 : vector<1x1x16xf32> to vector<16xf32>
        %swap3A_578 = vector.shape_cast %get3A_571 : vector<16xf32> to vector<1x1x16xf32>
        tpu.vector_store %arg7[%swap3A_573, %swap3A_574, %swap3A_575], %swap3A_578 {add = true, strides = array<i32>} : memref<3x200x128xf32, #tpu.memory_space<vmem>>, vector<1x1x16xf32>,
        %get3A_579 = arith.index_cast %scan3A_556 : i32 to index
        %get3A_580 = arith.constant 32 : index
        %get3A_581 = tpu.vector_load %arg8[%get3A_579, %get3A_580] {strides = array<i32>} : memref<200x128xf32, #tpu.memory_space<vmem>>, vector<1x16xf32>,
        %get3A_582 = vector.shape_cast %get3A_581 : vector<1x16xf32> to vector<16xf32>
        %swap3A_583 = arith.constant 1 : i32
        %swap3A_584 = arith.index_cast %swap3A_583 : i32 to index
        %swap3A_585 = arith.index_cast %scan3A_556 : i32 to index
        %swap3A_586 = arith.constant 32 : index
        %swap3A_587 = tpu.vector_load %arg7[%swap3A_584, %swap3A_585, %swap3A_586] {strides = array<i32>} : memref<3x200x128xf32, #tpu.memory_space<vmem>>, vector<1x1x16xf32>,
        %swap3A_588 = vector.shape_cast %swap3A_587 : vector<1x1x16xf32> to vector<16xf32>
        %swap3A_589 = vector.shape_cast %get3A_582 : vector<16xf32> to vector<1x1x16xf32>
        tpu.vector_store %arg7[%swap3A_584, %swap3A_585, %swap3A_586], %swap3A_589 {add = true, strides = array<i32>} : memref<3x200x128xf32, #tpu.memory_space<vmem>>, vector<1x1x16xf32>,
        %get3A_590 = arith.index_cast %scan3A_556 : i32 to index
        %get3A_591 = arith.constant 48 : index
        %get3A_592 = tpu.vector_load %arg8[%get3A_590, %get3A_591] {strides = array<i32>} : memref<200x128xf32, #tpu.memory_space<vmem>>, vector<1x16xf32>,
        %get3A_593 = vector.shape_cast %get3A_592 : vector<1x16xf32> to vector<16xf32>
        %swap3A_594 = arith.constant 1 : i32
        %swap3A_595 = arith.index_cast %swap3A_594 : i32 to index
        %swap3A_596 = arith.index_cast %scan3A_556 : i32 to index
        %swap3A_597 = arith.constant 48 : index
        %swap3A_598 = tpu.vector_load %arg7[%swap3A_595, %swap3A_596, %swap3A_597] {strides = array<i32>} : memref<3x200x128xf32, #tpu.memory_space<vmem>>, vector<1x1x16xf32>,
        %swap3A_599 = vector.shape_cast %swap3A_598 : vector<1x1x16xf32> to vector<16xf32>
        %swap3A_600 = vector.shape_cast %get3A_593 : vector<16xf32> to vector<1x1x16xf32>
        tpu.vector_store %arg7[%swap3A_595, %swap3A_596, %swap3A_597], %swap3A_600 {add = true, strides = array<i32>} : memref<3x200x128xf32, #tpu.memory_space<vmem>>, vector<1x1x16xf32>,
        %get3A_601 = arith.index_cast %scan3A_556 : i32 to index
        %get3A_602 = arith.constant 64 : index
        %get3A_603 = tpu.vector_load %arg8[%get3A_601, %get3A_602] {strides = array<i32>} : memref<200x128xf32, #tpu.memory_space<vmem>>, vector<1x16xf32>,
        %get3A_604 = vector.shape_cast %get3A_603 : vector<1x16xf32> to vector<16xf32>
        %swap3A_605 = arith.constant 1 : i32
        %swap3A_606 = arith.index_cast %swap3A_605 : i32 to index
        %swap3A_607 = arith.index_cast %scan3A_556 : i32 to index
        %swap3A_608 = arith.constant 64 : index
        %swap3A_609 = tpu.vector_load %arg7[%swap3A_606, %swap3A_607, %swap3A_608] {strides = array<i32>} : memref<3x200x128xf32, #tpu.memory_space<vmem>>, vector<1x1x16xf32>,
        %swap3A_610 = vector.shape_cast %swap3A_609 : vector<1x1x16xf32> to vector<16xf32>
        %swap3A_611 = vector.shape_cast %get3A_604 : vector<16xf32> to vector<1x1x16xf32>
        tpu.vector_store %arg7[%swap3A_606, %swap3A_607, %swap3A_608], %swap3A_611 {add = true, strides = array<i32>} : memref<3x200x128xf32, #tpu.memory_space<vmem>>, vector<1x1x16xf32>,
        %get3A_612 = arith.index_cast %scan3A_556 : i32 to index
        %get3A_613 = arith.constant 80 : index
        %get3A_614 = tpu.vector_load %arg8[%get3A_612, %get3A_613] {strides = array<i32>} : memref<200x128xf32, #tpu.memory_space<vmem>>, vector<1x16xf32>,
        %get3A_615 = vector.shape_cast %get3A_614 : vector<1x16xf32> to vector<16xf32>
        %swap3A_616 = arith.constant 1 : i32
        %swap3A_617 = arith.index_cast %swap3A_616 : i32 to index
        %swap3A_618 = arith.index_cast %scan3A_556 : i32 to index
        %swap3A_619 = arith.constant 80 : index
        %swap3A_620 = tpu.vector_load %arg7[%swap3A_617, %swap3A_618, %swap3A_619] {strides = array<i32>} : memref<3x200x128xf32, #tpu.memory_space<vmem>>, vector<1x1x16xf32>,
        %swap3A_621 = vector.shape_cast %swap3A_620 : vector<1x1x16xf32> to vector<16xf32>
        %swap3A_622 = vector.shape_cast %get3A_615 : vector<16xf32> to vector<1x1x16xf32>
        tpu.vector_store %arg7[%swap3A_617, %swap3A_618, %swap3A_619], %swap3A_622 {add = true, strides = array<i32>} : memref<3x200x128xf32, #tpu.memory_space<vmem>>, vector<1x1x16xf32>,
        %get3A_623 = arith.index_cast %scan3A_556 : i32 to index
        %get3A_624 = arith.constant 96 : index
        %get3A_625 = tpu.vector_load %arg8[%get3A_623, %get3A_624] {strides = array<i32>} : memref<200x128xf32, #tpu.memory_space<vmem>>, vector<1x16xf32>,
        %get3A_626 = vector.shape_cast %get3A_625 : vector<1x16xf32> to vector<16xf32>
        %swap3A_627 = arith.constant 1 : i32
        %swap3A_628 = arith.index_cast %swap3A_627 : i32 to index
        %swap3A_629 = arith.index_cast %scan3A_556 : i32 to index
        %swap3A_630 = arith.constant 96 : index
        %swap3A_631 = tpu.vector_load %arg7[%swap3A_628, %swap3A_629, %swap3A_630] {strides = array<i32>} : memref<3x200x128xf32, #tpu.memory_space<vmem>>, vector<1x1x16xf32>,
        %swap3A_632 = vector.shape_cast %swap3A_631 : vector<1x1x16xf32> to vector<16xf32>
        %swap3A_633 = vector.shape_cast %get3A_626 : vector<16xf32> to vector<1x1x16xf32>
        tpu.vector_store %arg7[%swap3A_628, %swap3A_629, %swap3A_630], %swap3A_633 {add = true, strides = array<i32>} : memref<3x200x128xf32, #tpu.memory_space<vmem>>, vector<1x1x16xf32>,
        %get3A_634 = arith.index_cast %scan3A_556 : i32 to index
        %get3A_635 = arith.constant 112 : index
        %get3A_636 = tpu.vector_load %arg8[%get3A_634, %get3A_635] {strides = array<i32>} : memref<200x128xf32, #tpu.memory_space<vmem>>, vector<1x16xf32>,
        %get3A_637 = vector.shape_cast %get3A_636 : vector<1x16xf32> to vector<16xf32>
        %swap3A_638 = arith.constant 1 : i32
        %swap3A_639 = arith.index_cast %swap3A_638 : i32 to index
        %swap3A_640 = arith.index_cast %scan3A_556 : i32 to index
        %swap3A_641 = arith.constant 112 : index
        %swap3A_642 = tpu.vector_load %arg7[%swap3A_639, %swap3A_640, %swap3A_641] {strides = array<i32>} : memref<3x200x128xf32, #tpu.memory_space<vmem>>, vector<1x1x16xf32>,
        %swap3A_643 = vector.shape_cast %swap3A_642 : vector<1x1x16xf32> to vector<16xf32>
        %swap3A_644 = vector.shape_cast %get3A_637 : vector<16xf32> to vector<1x1x16xf32>
        tpu.vector_store %arg7[%swap3A_639, %swap3A_640, %swap3A_641], %swap3A_644 {add = true, strides = array<i32>} : memref<3x200x128xf32, #tpu.memory_space<vmem>>, vector<1x1x16xf32>,
        %scan3A_645 = arith.constant 0 : i32
        scf.yield %scan3A_645 : i32
      }
      %scan3A_374 = arith.constant 200 : i32
      %mul3A_375 = arith.constant 32 : i32
      %mul3A_376 = arith.muli %add3A, %mul3A_375 : i32
      %add3A_377 = arith.addi %mul3A_376, %add3A_325 : i32
      %dma_start3A_378 = arith.constant 1 : i32
      %dma_start3A_379 = arith.constant 0 : i32
      %dma_start3A_380 = arith.constant 0 : i32
      %dma_start3A_381 = tpu.memref_slice %arg7[%dma_start3A_378, %dma_start3A_379, %dma_start3A_380] : memref<3x200x128xf32, #tpu.memory_space<vmem>> -> memref<1x200x128xf32, #tpu.memory_space<vmem>>
      %dma_start3A_382 = tpu.memref_squeeze %dma_start3A_381 : memref<1x200x128xf32, #tpu.memory_space<vmem>> -> memref<200x128xf32, #tpu.memory_space<vmem>>
      %dma_start3A_383 = arith.constant 0 : i32
      %dma_start3A_384 = arith.constant 0 : i32
      %dma_start3A_385 = tpu.memref_slice %arg5[%add3A_377, %dma_start3A_383, %dma_start3A_384] : memref<1024x200x128xf32, #tpu.memory_space<hbm>> -> memref<1x200x128xf32, #tpu.memory_space<hbm>>
      %dma_start3A_386 = tpu.memref_squeeze %dma_start3A_385 : memref<1x200x128xf32, #tpu.memory_space<hbm>> -> memref<200x128xf32, #tpu.memory_space<hbm>>
      %dma_start3A_387 = arith.constant 0 : i32
      %dma_start3A_388 = arith.constant 0 : i32
      %dma_start3A_389 = tpu.memref_slice %arg5[%add3A_377, %dma_start3A_387, %dma_start3A_388] : memref<1024x200x128xf32, #tpu.memory_space<hbm>> -> memref<1x200x128xf32, #tpu.memory_space<hbm>>
      %dma_start3A_390 = tpu.memref_squeeze %dma_start3A_389 : memref<1x200x128xf32, #tpu.memory_space<hbm>> -> memref<200x128xf32, #tpu.memory_space<hbm>>
      %dma_start3A_391 = arith.constant 0 : i32
      %dma_start3A_392 = arith.constant 0 : i32
      %dma_start3A_393 = tpu.memref_slice %arg7[%dma_start3A_378, %dma_start3A_391, %dma_start3A_392] : memref<3x200x128xf32, #tpu.memory_space<vmem>> -> memref<1x200x128xf32, #tpu.memory_space<vmem>>
      %dma_start3A_394 = tpu.memref_squeeze %dma_start3A_393 : memref<1x200x128xf32, #tpu.memory_space<vmem>> -> memref<200x128xf32, #tpu.memory_space<vmem>>
      tpu.enqueue_dma source(%dma_start3A_394 : memref<200x128xf32, #tpu.memory_space<vmem>>) target(%dma_start3A_390 : memref<200x128xf32, #tpu.memory_space<hbm>>) target_semaphore(%arg13 : memref<!tpu.dma_semaphore, #tpu.memory_space<semaphore_mem>>)
      %add3A_395 = arith.constant 2 : i32
      %add3A_396 = arith.addi %add3A_255, %add3A_395 : i32
      %mul3A_397 = arith.constant 2 : i32
      %mul3A_398 = arith.muli %add3A_396, %mul3A_397 : i32
      %add3A_399 = arith.constant 0 : i32
      %add3A_400 = arith.addi %mul3A_398, %add3A_399 : i32
      %dma_wait3A_401 = arith.constant 2 : i32
      %dma_wait3A_402 = arith.constant 0 : i32
      %dma_wait3A_403 = arith.constant 0 : i32
      %dma_wait3A_404 = tpu.memref_slice %arg7[%dma_wait3A_401, %dma_wait3A_402, %dma_wait3A_403] : memref<3x200x128xf32, #tpu.memory_space<vmem>> -> memref<1x100x128xf32, #tpu.memory_space<vmem>>
      %dma_wait3A_405 = tpu.memref_squeeze %dma_wait3A_404 : memref<1x100x128xf32, #tpu.memory_space<vmem>> -> memref<100x128xf32, #tpu.memory_space<vmem>>
      %dma_wait3A_406 = arith.constant 0 : i32
      %dma_wait3A_407 = tpu.memref_slice %arg6[%add3A_400, %dma_wait3A_406] : memref<64x100xi32, #tpu.memory_space<vmem>> -> memref<1x100xi32, #tpu.memory_space<vmem>>
      %dma_wait3A_408 = tpu.memref_squeeze %dma_wait3A_407 : memref<1x100xi32, #tpu.memory_space<vmem>> -> memref<100xi32, #tpu.memory_space<vmem>>
      %dma_wait3A_409 = arith.constant 0 : i32
      %dma_wait3A_410 = arith.constant 0 : i32
      %dma_wait3A_411 = tpu.memref_slice %arg3[%dma_wait3A_409, %dma_wait3A_410] : memref<100000x128xf32, #tpu.memory_space<hbm>> -> memref<100000x128xf32, #tpu.memory_space<hbm>>
      tpu.wait_indirect_dma semaphore(%arg11 : memref<!tpu.dma_semaphore, #tpu.memory_space<semaphore_mem>>) src(%dma_wait3A_411 : memref<100000x128xf32, #tpu.memory_space<hbm>>) dst(%dma_wait3A_405 : memref<100x128xf32, #tpu.memory_space<vmem>>)
      %mul3A_412 = arith.constant 2 : i32
      %mul3A_413 = arith.muli %add3A_396, %mul3A_412 : i32
      %add3A_414 = arith.constant 1 : i32
      %add3A_415 = arith.addi %mul3A_413, %add3A_414 : i32
      %dma_wait3A_416 = arith.constant 2 : i32
      %dma_wait3A_417 = arith.constant 100 : i32
      %dma_wait3A_418 = arith.constant 0 : i32
      %dma_wait3A_419 = tpu.memref_slice %arg7[%dma_wait3A_416, %dma_wait3A_417, %dma_wait3A_418] : memref<3x200x128xf32, #tpu.memory_space<vmem>> -> memref<1x100x128xf32, #tpu.memory_space<vmem>>
      %dma_wait3A_420 = tpu.memref_squeeze %dma_wait3A_419 : memref<1x100x128xf32, #tpu.memory_space<vmem>> -> memref<100x128xf32, #tpu.memory_space<vmem>>
      %dma_wait3A_421 = arith.constant 0 : i32
      %dma_wait3A_422 = tpu.memref_slice %arg6[%add3A_415, %dma_wait3A_421] : memref<64x100xi32, #tpu.memory_space<vmem>> -> memref<1x100xi32, #tpu.memory_space<vmem>>
      %dma_wait3A_423 = tpu.memref_squeeze %dma_wait3A_422 : memref<1x100xi32, #tpu.memory_space<vmem>> -> memref<100xi32, #tpu.memory_space<vmem>>
      %dma_wait3A_424 = arith.constant 0 : i32
      %dma_wait3A_425 = arith.constant 0 : i32
      %dma_wait3A_426 = tpu.memref_slice %arg3[%dma_wait3A_424, %dma_wait3A_425] : memref<100000x128xf32, #tpu.memory_space<hbm>> -> memref<100000x128xf32, #tpu.memory_space<hbm>>
      tpu.wait_indirect_dma semaphore(%arg11 : memref<!tpu.dma_semaphore, #tpu.memory_space<semaphore_mem>>) src(%dma_wait3A_426 : memref<100000x128xf32, #tpu.memory_space<hbm>>) dst(%dma_wait3A_420 : memref<100x128xf32, #tpu.memory_space<vmem>>)
      %add3A_427 = arith.constant 3 : i32
      %add3A_428 = arith.addi %add3A_396, %add3A_427 : i32
      %sub3A_429 = arith.constant 1 : i32
      %sub3A_430 = arith.subi %add3A_428, %sub3A_429 : i32
      %ge3A_431 = arith.constant 3 : i32
      %ge3A_432 = arith.cmpi sge, %sub3A_430, %ge3A_431 : i32
      %lt3A_433 = arith.constant 32 : i32
      %lt3A_434 = arith.cmpi slt, %sub3A_430, %lt3A_433 : i32
      %and3A_435 = arith.andi %ge3A_432, %lt3A_434 : i1
      %convert_element_type3A_436 = arith.extui %and3A_435 : i1 to i32
      %cond3A_437 = arith.constant 0 : i32
      %cond3A_438 = arith.cmpi ne, %convert_element_type3A_436, %cond3A_437 : i32
      scf.if %cond3A_438 {
        %sub3A_466 = arith.constant 1 : i32
        %sub3A_467 = arith.subi %add3A_396, %sub3A_466 : i32
        %mul3A_468 = arith.constant 32 : i32
        %mul3A_469 = arith.muli %add3A, %mul3A_468 : i32
        %add3A_470 = arith.addi %mul3A_469, %sub3A_467 : i32
        %dma_wait3A_471 = arith.constant 1 : i32
        %dma_wait3A_472 = arith.constant 0 : i32
        %dma_wait3A_473 = arith.constant 0 : i32
        %dma_wait3A_474 = tpu.memref_slice %arg7[%dma_wait3A_471, %dma_wait3A_472, %dma_wait3A_473] : memref<3x200x128xf32, #tpu.memory_space<vmem>> -> memref<1x200x128xf32, #tpu.memory_space<vmem>>
        %dma_wait3A_475 = tpu.memref_squeeze %dma_wait3A_474 : memref<1x200x128xf32, #tpu.memory_space<vmem>> -> memref<200x128xf32, #tpu.memory_space<vmem>>
        %dma_wait3A_476 = arith.constant 0 : i32
        %dma_wait3A_477 = arith.constant 0 : i32
        %dma_wait3A_478 = tpu.memref_slice %arg5[%add3A_470, %dma_wait3A_476, %dma_wait3A_477] : memref<1024x200x128xf32, #tpu.memory_space<hbm>> -> memref<1x200x128xf32, #tpu.memory_space<hbm>>
        %dma_wait3A_479 = tpu.memref_squeeze %dma_wait3A_478 : memref<1x200x128xf32, #tpu.memory_space<hbm>> -> memref<200x128xf32, #tpu.memory_space<hbm>>
        %dma_wait3A_480 = arith.constant 0 : i32
        %dma_wait3A_481 = arith.constant 0 : i32
        %dma_wait3A_482 = tpu.memref_slice %arg5[%add3A_470, %dma_wait3A_480, %dma_wait3A_481] : memref<1024x200x128xf32, #tpu.memory_space<hbm>> -> memref<1x200x128xf32, #tpu.memory_space<hbm>>
        %dma_wait3A_483 = tpu.memref_squeeze %dma_wait3A_482 : memref<1x200x128xf32, #tpu.memory_space<hbm>> -> memref<200x128xf32, #tpu.memory_space<hbm>>
        %dma_wait3A_484 = arith.constant 0 : i32
        %dma_wait3A_485 = arith.constant 0 : i32
        %dma_wait3A_486 = tpu.memref_slice %arg7[%dma_wait3A_471, %dma_wait3A_484, %dma_wait3A_485] : memref<3x200x128xf32, #tpu.memory_space<vmem>> -> memref<1x200x128xf32, #tpu.memory_space<vmem>>
        %dma_wait3A_487 = tpu.memref_squeeze %dma_wait3A_486 : memref<1x200x128xf32, #tpu.memory_space<vmem>> -> memref<200x128xf32, #tpu.memory_space<vmem>>
        tpu.wait_dma2 semaphore(%arg13 : memref<!tpu.dma_semaphore, #tpu.memory_space<semaphore_mem>>) src(%dma_wait3A_487 : memref<200x128xf32, #tpu.memory_space<vmem>>) dst(%dma_wait3A_483 : memref<200x128xf32, #tpu.memory_space<hbm>>)
        %mul3A_488 = arith.constant 2 : i32
        %mul3A_489 = arith.muli %sub3A_430, %mul3A_488 : i32
        %add3A_490 = arith.constant 0 : i32
        %add3A_491 = arith.addi %mul3A_489, %add3A_490 : i32
        %dma_start3A_492 = arith.constant 1 : i32
        %dma_start3A_493 = arith.constant 0 : i32
        %dma_start3A_494 = arith.constant 0 : i32
        %dma_start3A_495 = tpu.memref_slice %arg7[%dma_start3A_492, %dma_start3A_493, %dma_start3A_494] : memref<3x200x128xf32, #tpu.memory_space<vmem>> -> memref<1x100x128xf32, #tpu.memory_space<vmem>>
        %dma_start3A_496 = tpu.memref_squeeze %dma_start3A_495 : memref<1x100x128xf32, #tpu.memory_space<vmem>> -> memref<100x128xf32, #tpu.memory_space<vmem>>
        %dma_start3A_497 = arith.constant 0 : i32
        %dma_start3A_498 = tpu.memref_slice %arg6[%add3A_491, %dma_start3A_497] : memref<64x100xi32, #tpu.memory_space<vmem>> -> memref<1x100xi32, #tpu.memory_space<vmem>>
        %dma_start3A_499 = tpu.memref_squeeze %dma_start3A_498 : memref<1x100xi32, #tpu.memory_space<vmem>> -> memref<100xi32, #tpu.memory_space<vmem>>
        %dma_start3A_500 = arith.constant 0 : i32
        %dma_start3A_501 = arith.constant 0 : i32
        %dma_start3A_502 = tpu.memref_slice %arg3[%dma_start3A_500, %dma_start3A_501] : memref<100000x128xf32, #tpu.memory_space<hbm>> -> memref<100000x128xf32, #tpu.memory_space<hbm>>
        tpu.enqueue_indirect_dma source(%dma_start3A_502 : memref<100000x128xf32, #tpu.memory_space<hbm>>) target(%dma_start3A_496 : memref<100x128xf32, #tpu.memory_space<vmem>>) offsets(%dma_start3A_499 : memref<100xi32, #tpu.memory_space<vmem>>) semaphore(%arg10 : memref<!tpu.dma_semaphore, #tpu.memory_space<semaphore_mem>>)
        %mul3A_503 = arith.constant 2 : i32
        %mul3A_504 = arith.muli %sub3A_430, %mul3A_503 : i32
        %add3A_505 = arith.constant 1 : i32
        %add3A_506 = arith.addi %mul3A_504, %add3A_505 : i32
        %dma_start3A_507 = arith.constant 1 : i32
        %dma_start3A_508 = arith.constant 100 : i32
        %dma_start3A_509 = arith.constant 0 : i32
        %dma_start3A_510 = tpu.memref_slice %arg7[%dma_start3A_507, %dma_start3A_508, %dma_start3A_509] : memref<3x200x128xf32, #tpu.memory_space<vmem>> -> memref<1x100x128xf32, #tpu.memory_space<vmem>>
        %dma_start3A_511 = tpu.memref_squeeze %dma_start3A_510 : memref<1x100x128xf32, #tpu.memory_space<vmem>> -> memref<100x128xf32, #tpu.memory_space<vmem>>
        %dma_start3A_512 = arith.constant 0 : i32
        %dma_start3A_513 = tpu.memref_slice %arg6[%add3A_506, %dma_start3A_512] : memref<64x100xi32, #tpu.memory_space<vmem>> -> memref<1x100xi32, #tpu.memory_space<vmem>>
        %dma_start3A_514 = tpu.memref_squeeze %dma_start3A_513 : memref<1x100xi32, #tpu.memory_space<vmem>> -> memref<100xi32, #tpu.memory_space<vmem>>
        %dma_start3A_515 = arith.constant 0 : i32
        %dma_start3A_516 = arith.constant 0 : i32
        %dma_start3A_517 = tpu.memref_slice %arg3[%dma_start3A_515, %dma_start3A_516] : memref<100000x128xf32, #tpu.memory_space<hbm>> -> memref<100000x128xf32, #tpu.memory_space<hbm>>
        tpu.enqueue_indirect_dma source(%dma_start3A_517 : memref<100000x128xf32, #tpu.memory_space<hbm>>) target(%dma_start3A_511 : memref<100x128xf32, #tpu.memory_space<vmem>>) offsets(%dma_start3A_514 : memref<100xi32, #tpu.memory_space<vmem>>) semaphore(%arg10 : memref<!tpu.dma_semaphore, #tpu.memory_space<semaphore_mem>>)
      } else {
      }
      %scan3A_439 = arith.constant 0 : i32
      %scan3A_440 = arith.constant 0 : i32
      %scan3A_441 = arith.constant 200 : i32
      %scan3A_442 = arith.addi %scan3A_440, %scan3A_441 : i32
      %scan3A_443 = arith.constant 2 : i32
      %scan3A_444 = scf.for %scan3A_466 = %scan3A_440 to %scan3A_442 step %scan3A_443 iter_args(%scan3A_467 = %scan3A_439) -> (i32)  : i32 {
        %get3A = arith.index_cast %scan3A_466 : i32 to index
        %get3A_468 = arith.constant 0 : index
        %get3A_469 = tpu.vector_load %arg8[%get3A, %get3A_468] {strides = array<i32>} : memref<200x128xf32, #tpu.memory_space<vmem>>, vector<1x16xf32>,
        %get3A_470 = vector.shape_cast %get3A_469 : vector<1x16xf32> to vector<16xf32>
        %swap3A = arith.constant 2 : i32
        %swap3A_471 = arith.index_cast %swap3A : i32 to index
        %swap3A_472 = arith.index_cast %scan3A_466 : i32 to index
        %swap3A_473 = arith.constant 0 : index
        %swap3A_474 = tpu.vector_load %arg7[%swap3A_471, %swap3A_472, %swap3A_473] {strides = array<i32>} : memref<3x200x128xf32, #tpu.memory_space<vmem>>, vector<1x1x16xf32>,
        %swap3A_475 = vector.shape_cast %swap3A_474 : vector<1x1x16xf32> to vector<16xf32>
        %swap3A_476 = vector.shape_cast %get3A_470 : vector<16xf32> to vector<1x1x16xf32>
        tpu.vector_store %arg7[%swap3A_471, %swap3A_472, %swap3A_473], %swap3A_476 {add = true, strides = array<i32>} : memref<3x200x128xf32, #tpu.memory_space<vmem>>, vector<1x1x16xf32>,
        %get3A_477 = arith.index_cast %scan3A_466 : i32 to index
        %get3A_478 = arith.constant 16 : index
        %get3A_479 = tpu.vector_load %arg8[%get3A_477, %get3A_478] {strides = array<i32>} : memref<200x128xf32, #tpu.memory_space<vmem>>, vector<1x16xf32>,
        %get3A_480 = vector.shape_cast %get3A_479 : vector<1x16xf32> to vector<16xf32>
        %swap3A_481 = arith.constant 2 : i32
        %swap3A_482 = arith.index_cast %swap3A_481 : i32 to index
        %swap3A_483 = arith.index_cast %scan3A_466 : i32 to index
        %swap3A_484 = arith.constant 16 : index
        %swap3A_485 = tpu.vector_load %arg7[%swap3A_482, %swap3A_483, %swap3A_484] {strides = array<i32>} : memref<3x200x128xf32, #tpu.memory_space<vmem>>, vector<1x1x16xf32>,
        %swap3A_486 = vector.shape_cast %swap3A_485 : vector<1x1x16xf32> to vector<16xf32>
        %swap3A_487 = vector.shape_cast %get3A_480 : vector<16xf32> to vector<1x1x16xf32>
        tpu.vector_store %arg7[%swap3A_482, %swap3A_483, %swap3A_484], %swap3A_487 {add = true, strides = array<i32>} : memref<3x200x128xf32, #tpu.memory_space<vmem>>, vector<1x1x16xf32>,
        %get3A_488 = arith.index_cast %scan3A_466 : i32 to index
        %get3A_489 = arith.constant 32 : index
        %get3A_490 = tpu.vector_load %arg8[%get3A_488, %get3A_489] {strides = array<i32>} : memref<200x128xf32, #tpu.memory_space<vmem>>, vector<1x16xf32>,
        %get3A_491 = vector.shape_cast %get3A_490 : vector<1x16xf32> to vector<16xf32>
        %swap3A_492 = arith.constant 2 : i32
        %swap3A_493 = arith.index_cast %swap3A_492 : i32 to index
        %swap3A_494 = arith.index_cast %scan3A_466 : i32 to index
        %swap3A_495 = arith.constant 32 : index
        %swap3A_496 = tpu.vector_load %arg7[%swap3A_493, %swap3A_494, %swap3A_495] {strides = array<i32>} : memref<3x200x128xf32, #tpu.memory_space<vmem>>, vector<1x1x16xf32>,
        %swap3A_497 = vector.shape_cast %swap3A_496 : vector<1x1x16xf32> to vector<16xf32>
        %swap3A_498 = vector.shape_cast %get3A_491 : vector<16xf32> to vector<1x1x16xf32>
        tpu.vector_store %arg7[%swap3A_493, %swap3A_494, %swap3A_495], %swap3A_498 {add = true, strides = array<i32>} : memref<3x200x128xf32, #tpu.memory_space<vmem>>, vector<1x1x16xf32>,
        %get3A_499 = arith.index_cast %scan3A_466 : i32 to index
        %get3A_500 = arith.constant 48 : index
        %get3A_501 = tpu.vector_load %arg8[%get3A_499, %get3A_500] {strides = array<i32>} : memref<200x128xf32, #tpu.memory_space<vmem>>, vector<1x16xf32>,
        %get3A_502 = vector.shape_cast %get3A_501 : vector<1x16xf32> to vector<16xf32>
        %swap3A_503 = arith.constant 2 : i32
        %swap3A_504 = arith.index_cast %swap3A_503 : i32 to index
        %swap3A_505 = arith.index_cast %scan3A_466 : i32 to index
        %swap3A_506 = arith.constant 48 : index
        %swap3A_507 = tpu.vector_load %arg7[%swap3A_504, %swap3A_505, %swap3A_506] {strides = array<i32>} : memref<3x200x128xf32, #tpu.memory_space<vmem>>, vector<1x1x16xf32>,
        %swap3A_508 = vector.shape_cast %swap3A_507 : vector<1x1x16xf32> to vector<16xf32>
        %swap3A_509 = vector.shape_cast %get3A_502 : vector<16xf32> to vector<1x1x16xf32>
        tpu.vector_store %arg7[%swap3A_504, %swap3A_505, %swap3A_506], %swap3A_509 {add = true, strides = array<i32>} : memref<3x200x128xf32, #tpu.memory_space<vmem>>, vector<1x1x16xf32>,
        %get3A_510 = arith.index_cast %scan3A_466 : i32 to index
        %get3A_511 = arith.constant 64 : index
        %get3A_512 = tpu.vector_load %arg8[%get3A_510, %get3A_511] {strides = array<i32>} : memref<200x128xf32, #tpu.memory_space<vmem>>, vector<1x16xf32>,
        %get3A_513 = vector.shape_cast %get3A_512 : vector<1x16xf32> to vector<16xf32>
        %swap3A_514 = arith.constant 2 : i32
        %swap3A_515 = arith.index_cast %swap3A_514 : i32 to index
        %swap3A_516 = arith.index_cast %scan3A_466 : i32 to index
        %swap3A_517 = arith.constant 64 : index
        %swap3A_518 = tpu.vector_load %arg7[%swap3A_515, %swap3A_516, %swap3A_517] {strides = array<i32>} : memref<3x200x128xf32, #tpu.memory_space<vmem>>, vector<1x1x16xf32>,
        %swap3A_519 = vector.shape_cast %swap3A_518 : vector<1x1x16xf32> to vector<16xf32>
        %swap3A_520 = vector.shape_cast %get3A_513 : vector<16xf32> to vector<1x1x16xf32>
        tpu.vector_store %arg7[%swap3A_515, %swap3A_516, %swap3A_517], %swap3A_520 {add = true, strides = array<i32>} : memref<3x200x128xf32, #tpu.memory_space<vmem>>, vector<1x1x16xf32>,
        %get3A_521 = arith.index_cast %scan3A_466 : i32 to index
        %get3A_522 = arith.constant 80 : index
        %get3A_523 = tpu.vector_load %arg8[%get3A_521, %get3A_522] {strides = array<i32>} : memref<200x128xf32, #tpu.memory_space<vmem>>, vector<1x16xf32>,
        %get3A_524 = vector.shape_cast %get3A_523 : vector<1x16xf32> to vector<16xf32>
        %swap3A_525 = arith.constant 2 : i32
        %swap3A_526 = arith.index_cast %swap3A_525 : i32 to index
        %swap3A_527 = arith.index_cast %scan3A_466 : i32 to index
        %swap3A_528 = arith.constant 80 : index
        %swap3A_529 = tpu.vector_load %arg7[%swap3A_526, %swap3A_527, %swap3A_528] {strides = array<i32>} : memref<3x200x128xf32, #tpu.memory_space<vmem>>, vector<1x1x16xf32>,
        %swap3A_530 = vector.shape_cast %swap3A_529 : vector<1x1x16xf32> to vector<16xf32>
        %swap3A_531 = vector.shape_cast %get3A_524 : vector<16xf32> to vector<1x1x16xf32>
        tpu.vector_store %arg7[%swap3A_526, %swap3A_527, %swap3A_528], %swap3A_531 {add = true, strides = array<i32>} : memref<3x200x128xf32, #tpu.memory_space<vmem>>, vector<1x1x16xf32>,
        %get3A_532 = arith.index_cast %scan3A_466 : i32 to index
        %get3A_533 = arith.constant 96 : index
        %get3A_534 = tpu.vector_load %arg8[%get3A_532, %get3A_533] {strides = array<i32>} : memref<200x128xf32, #tpu.memory_space<vmem>>, vector<1x16xf32>,
        %get3A_535 = vector.shape_cast %get3A_534 : vector<1x16xf32> to vector<16xf32>
        %swap3A_536 = arith.constant 2 : i32
        %swap3A_537 = arith.index_cast %swap3A_536 : i32 to index
        %swap3A_538 = arith.index_cast %scan3A_466 : i32 to index
        %swap3A_539 = arith.constant 96 : index
        %swap3A_540 = tpu.vector_load %arg7[%swap3A_537, %swap3A_538, %swap3A_539] {strides = array<i32>} : memref<3x200x128xf32, #tpu.memory_space<vmem>>, vector<1x1x16xf32>,
        %swap3A_541 = vector.shape_cast %swap3A_540 : vector<1x1x16xf32> to vector<16xf32>
        %swap3A_542 = vector.shape_cast %get3A_535 : vector<16xf32> to vector<1x1x16xf32>
        tpu.vector_store %arg7[%swap3A_537, %swap3A_538, %swap3A_539], %swap3A_542 {add = true, strides = array<i32>} : memref<3x200x128xf32, #tpu.memory_space<vmem>>, vector<1x1x16xf32>,
        %get3A_543 = arith.index_cast %scan3A_466 : i32 to index
        %get3A_544 = arith.constant 112 : index
        %get3A_545 = tpu.vector_load %arg8[%get3A_543, %get3A_544] {strides = array<i32>} : memref<200x128xf32, #tpu.memory_space<vmem>>, vector<1x16xf32>,
        %get3A_546 = vector.shape_cast %get3A_545 : vector<1x16xf32> to vector<16xf32>
        %swap3A_547 = arith.constant 2 : i32
        %swap3A_548 = arith.index_cast %swap3A_547 : i32 to index
        %swap3A_549 = arith.index_cast %scan3A_466 : i32 to index
        %swap3A_550 = arith.constant 112 : index
        %swap3A_551 = tpu.vector_load %arg7[%swap3A_548, %swap3A_549, %swap3A_550] {strides = array<i32>} : memref<3x200x128xf32, #tpu.memory_space<vmem>>, vector<1x1x16xf32>,
        %swap3A_552 = vector.shape_cast %swap3A_551 : vector<1x1x16xf32> to vector<16xf32>
        %swap3A_553 = vector.shape_cast %get3A_546 : vector<16xf32> to vector<1x1x16xf32>
        tpu.vector_store %arg7[%swap3A_548, %swap3A_549, %swap3A_550], %swap3A_553 {add = true, strides = array<i32>} : memref<3x200x128xf32, #tpu.memory_space<vmem>>, vector<1x1x16xf32>,
        %scan3A_554 = arith.constant 0 : i32
        %scan3A_555 = arith.constant 1 : i32
        %scan3A_556 = arith.addi %scan3A_466, %scan3A_555 : i32
        %get3A_557 = arith.index_cast %scan3A_556 : i32 to index
        %get3A_558 = arith.constant 0 : index
        %get3A_559 = tpu.vector_load %arg8[%get3A_557, %get3A_558] {strides = array<i32>} : memref<200x128xf32, #tpu.memory_space<vmem>>, vector<1x16xf32>,
        %get3A_560 = vector.shape_cast %get3A_559 : vector<1x16xf32> to vector<16xf32>
        %swap3A_561 = arith.constant 2 : i32
        %swap3A_562 = arith.index_cast %swap3A_561 : i32 to index
        %swap3A_563 = arith.index_cast %scan3A_556 : i32 to index
        %swap3A_564 = arith.constant 0 : index
        %swap3A_565 = tpu.vector_load %arg7[%swap3A_562, %swap3A_563, %swap3A_564] {strides = array<i32>} : memref<3x200x128xf32, #tpu.memory_space<vmem>>, vector<1x1x16xf32>,
        %swap3A_566 = vector.shape_cast %swap3A_565 : vector<1x1x16xf32> to vector<16xf32>
        %swap3A_567 = vector.shape_cast %get3A_560 : vector<16xf32> to vector<1x1x16xf32>
        tpu.vector_store %arg7[%swap3A_562, %swap3A_563, %swap3A_564], %swap3A_567 {add = true, strides = array<i32>} : memref<3x200x128xf32, #tpu.memory_space<vmem>>, vector<1x1x16xf32>,
        %get3A_568 = arith.index_cast %scan3A_556 : i32 to index
        %get3A_569 = arith.constant 16 : index
        %get3A_570 = tpu.vector_load %arg8[%get3A_568, %get3A_569] {strides = array<i32>} : memref<200x128xf32, #tpu.memory_space<vmem>>, vector<1x16xf32>,
        %get3A_571 = vector.shape_cast %get3A_570 : vector<1x16xf32> to vector<16xf32>
        %swap3A_572 = arith.constant 2 : i32
        %swap3A_573 = arith.index_cast %swap3A_572 : i32 to index
        %swap3A_574 = arith.index_cast %scan3A_556 : i32 to index
        %swap3A_575 = arith.constant 16 : index
        %swap3A_576 = tpu.vector_load %arg7[%swap3A_573, %swap3A_574, %swap3A_575] {strides = array<i32>} : memref<3x200x128xf32, #tpu.memory_space<vmem>>, vector<1x1x16xf32>,
        %swap3A_577 = vector.shape_cast %swap3A_576 : vector<1x1x16xf32> to vector<16xf32>
        %swap3A_578 = vector.shape_cast %get3A_571 : vector<16xf32> to vector<1x1x16xf32>
        tpu.vector_store %arg7[%swap3A_573, %swap3A_574, %swap3A_575], %swap3A_578 {add = true, strides = array<i32>} : memref<3x200x128xf32, #tpu.memory_space<vmem>>, vector<1x1x16xf32>,
        %get3A_579 = arith.index_cast %scan3A_556 : i32 to index
        %get3A_580 = arith.constant 32 : index
        %get3A_581 = tpu.vector_load %arg8[%get3A_579, %get3A_580] {strides = array<i32>} : memref<200x128xf32, #tpu.memory_space<vmem>>, vector<1x16xf32>,
        %get3A_582 = vector.shape_cast %get3A_581 : vector<1x16xf32> to vector<16xf32>
        %swap3A_583 = arith.constant 2 : i32
        %swap3A_584 = arith.index_cast %swap3A_583 : i32 to index
        %swap3A_585 = arith.index_cast %scan3A_556 : i32 to index
        %swap3A_586 = arith.constant 32 : index
        %swap3A_587 = tpu.vector_load %arg7[%swap3A_584, %swap3A_585, %swap3A_586] {strides = array<i32>} : memref<3x200x128xf32, #tpu.memory_space<vmem>>, vector<1x1x16xf32>,
        %swap3A_588 = vector.shape_cast %swap3A_587 : vector<1x1x16xf32> to vector<16xf32>
        %swap3A_589 = vector.shape_cast %get3A_582 : vector<16xf32> to vector<1x1x16xf32>
        tpu.vector_store %arg7[%swap3A_584, %swap3A_585, %swap3A_586], %swap3A_589 {add = true, strides = array<i32>} : memref<3x200x128xf32, #tpu.memory_space<vmem>>, vector<1x1x16xf32>,
        %get3A_590 = arith.index_cast %scan3A_556 : i32 to index
        %get3A_591 = arith.constant 48 : index
        %get3A_592 = tpu.vector_load %arg8[%get3A_590, %get3A_591] {strides = array<i32>} : memref<200x128xf32, #tpu.memory_space<vmem>>, vector<1x16xf32>,
        %get3A_593 = vector.shape_cast %get3A_592 : vector<1x16xf32> to vector<16xf32>
        %swap3A_594 = arith.constant 2 : i32
        %swap3A_595 = arith.index_cast %swap3A_594 : i32 to index
        %swap3A_596 = arith.index_cast %scan3A_556 : i32 to index
        %swap3A_597 = arith.constant 48 : index
        %swap3A_598 = tpu.vector_load %arg7[%swap3A_595, %swap3A_596, %swap3A_597] {strides = array<i32>} : memref<3x200x128xf32, #tpu.memory_space<vmem>>, vector<1x1x16xf32>,
        %swap3A_599 = vector.shape_cast %swap3A_598 : vector<1x1x16xf32> to vector<16xf32>
        %swap3A_600 = vector.shape_cast %get3A_593 : vector<16xf32> to vector<1x1x16xf32>
        tpu.vector_store %arg7[%swap3A_595, %swap3A_596, %swap3A_597], %swap3A_600 {add = true, strides = array<i32>} : memref<3x200x128xf32, #tpu.memory_space<vmem>>, vector<1x1x16xf32>,
        %get3A_601 = arith.index_cast %scan3A_556 : i32 to index
        %get3A_602 = arith.constant 64 : index
        %get3A_603 = tpu.vector_load %arg8[%get3A_601, %get3A_602] {strides = array<i32>} : memref<200x128xf32, #tpu.memory_space<vmem>>, vector<1x16xf32>,
        %get3A_604 = vector.shape_cast %get3A_603 : vector<1x16xf32> to vector<16xf32>
        %swap3A_605 = arith.constant 2 : i32
        %swap3A_606 = arith.index_cast %swap3A_605 : i32 to index
        %swap3A_607 = arith.index_cast %scan3A_556 : i32 to index
        %swap3A_608 = arith.constant 64 : index
        %swap3A_609 = tpu.vector_load %arg7[%swap3A_606, %swap3A_607, %swap3A_608] {strides = array<i32>} : memref<3x200x128xf32, #tpu.memory_space<vmem>>, vector<1x1x16xf32>,
        %swap3A_610 = vector.shape_cast %swap3A_609 : vector<1x1x16xf32> to vector<16xf32>
        %swap3A_611 = vector.shape_cast %get3A_604 : vector<16xf32> to vector<1x1x16xf32>
        tpu.vector_store %arg7[%swap3A_606, %swap3A_607, %swap3A_608], %swap3A_611 {add = true, strides = array<i32>} : memref<3x200x128xf32, #tpu.memory_space<vmem>>, vector<1x1x16xf32>,
        %get3A_612 = arith.index_cast %scan3A_556 : i32 to index
        %get3A_613 = arith.constant 80 : index
        %get3A_614 = tpu.vector_load %arg8[%get3A_612, %get3A_613] {strides = array<i32>} : memref<200x128xf32, #tpu.memory_space<vmem>>, vector<1x16xf32>,
        %get3A_615 = vector.shape_cast %get3A_614 : vector<1x16xf32> to vector<16xf32>
        %swap3A_616 = arith.constant 2 : i32
        %swap3A_617 = arith.index_cast %swap3A_616 : i32 to index
        %swap3A_618 = arith.index_cast %scan3A_556 : i32 to index
        %swap3A_619 = arith.constant 80 : index
        %swap3A_620 = tpu.vector_load %arg7[%swap3A_617, %swap3A_618, %swap3A_619] {strides = array<i32>} : memref<3x200x128xf32, #tpu.memory_space<vmem>>, vector<1x1x16xf32>,
        %swap3A_621 = vector.shape_cast %swap3A_620 : vector<1x1x16xf32> to vector<16xf32>
        %swap3A_622 = vector.shape_cast %get3A_615 : vector<16xf32> to vector<1x1x16xf32>
        tpu.vector_store %arg7[%swap3A_617, %swap3A_618, %swap3A_619], %swap3A_622 {add = true, strides = array<i32>} : memref<3x200x128xf32, #tpu.memory_space<vmem>>, vector<1x1x16xf32>,
        %get3A_623 = arith.index_cast %scan3A_556 : i32 to index
        %get3A_624 = arith.constant 96 : index
        %get3A_625 = tpu.vector_load %arg8[%get3A_623, %get3A_624] {strides = array<i32>} : memref<200x128xf32, #tpu.memory_space<vmem>>, vector<1x16xf32>,
        %get3A_626 = vector.shape_cast %get3A_625 : vector<1x16xf32> to vector<16xf32>
        %swap3A_627 = arith.constant 2 : i32
        %swap3A_628 = arith.index_cast %swap3A_627 : i32 to index
        %swap3A_629 = arith.index_cast %scan3A_556 : i32 to index
        %swap3A_630 = arith.constant 96 : index
        %swap3A_631 = tpu.vector_load %arg7[%swap3A_628, %swap3A_629, %swap3A_630] {strides = array<i32>} : memref<3x200x128xf32, #tpu.memory_space<vmem>>, vector<1x1x16xf32>,
        %swap3A_632 = vector.shape_cast %swap3A_631 : vector<1x1x16xf32> to vector<16xf32>
        %swap3A_633 = vector.shape_cast %get3A_626 : vector<16xf32> to vector<1x1x16xf32>
        tpu.vector_store %arg7[%swap3A_628, %swap3A_629, %swap3A_630], %swap3A_633 {add = true, strides = array<i32>} : memref<3x200x128xf32, #tpu.memory_space<vmem>>, vector<1x1x16xf32>,
        %get3A_634 = arith.index_cast %scan3A_556 : i32 to index
        %get3A_635 = arith.constant 112 : index
        %get3A_636 = tpu.vector_load %arg8[%get3A_634, %get3A_635] {strides = array<i32>} : memref<200x128xf32, #tpu.memory_space<vmem>>, vector<1x16xf32>,
        %get3A_637 = vector.shape_cast %get3A_636 : vector<1x16xf32> to vector<16xf32>
        %swap3A_638 = arith.constant 2 : i32
        %swap3A_639 = arith.index_cast %swap3A_638 : i32 to index
        %swap3A_640 = arith.index_cast %scan3A_556 : i32 to index
        %swap3A_641 = arith.constant 112 : index
        %swap3A_642 = tpu.vector_load %arg7[%swap3A_639, %swap3A_640, %swap3A_641] {strides = array<i32>} : memref<3x200x128xf32, #tpu.memory_space<vmem>>, vector<1x1x16xf32>,
        %swap3A_643 = vector.shape_cast %swap3A_642 : vector<1x1x16xf32> to vector<16xf32>
        %swap3A_644 = vector.shape_cast %get3A_637 : vector<16xf32> to vector<1x1x16xf32>
        tpu.vector_store %arg7[%swap3A_639, %swap3A_640, %swap3A_641], %swap3A_644 {add = true, strides = array<i32>} : memref<3x200x128xf32, #tpu.memory_space<vmem>>, vector<1x1x16xf32>,
        %scan3A_645 = arith.constant 0 : i32
        scf.yield %scan3A_645 : i32
      }
      %scan3A_445 = arith.constant 200 : i32
      %mul3A_446 = arith.constant 32 : i32
      %mul3A_447 = arith.muli %add3A, %mul3A_446 : i32
      %add3A_448 = arith.addi %mul3A_447, %add3A_396 : i32
      %dma_start3A_449 = arith.constant 2 : i32
      %dma_start3A_450 = arith.constant 0 : i32
      %dma_start3A_451 = arith.constant 0 : i32
      %dma_start3A_452 = tpu.memref_slice %arg7[%dma_start3A_449, %dma_start3A_450, %dma_start3A_451] : memref<3x200x128xf32, #tpu.memory_space<vmem>> -> memref<1x200x128xf32, #tpu.memory_space<vmem>>
      %dma_start3A_453 = tpu.memref_squeeze %dma_start3A_452 : memref<1x200x128xf32, #tpu.memory_space<vmem>> -> memref<200x128xf32, #tpu.memory_space<vmem>>
      %dma_start3A_454 = arith.constant 0 : i32
      %dma_start3A_455 = arith.constant 0 : i32
      %dma_start3A_456 = tpu.memref_slice %arg5[%add3A_448, %dma_start3A_454, %dma_start3A_455] : memref<1024x200x128xf32, #tpu.memory_space<hbm>> -> memref<1x200x128xf32, #tpu.memory_space<hbm>>
      %dma_start3A_457 = tpu.memref_squeeze %dma_start3A_456 : memref<1x200x128xf32, #tpu.memory_space<hbm>> -> memref<200x128xf32, #tpu.memory_space<hbm>>
      %dma_start3A_458 = arith.constant 0 : i32
      %dma_start3A_459 = arith.constant 0 : i32
      %dma_start3A_460 = tpu.memref_slice %arg5[%add3A_448, %dma_start3A_458, %dma_start3A_459] : memref<1024x200x128xf32, #tpu.memory_space<hbm>> -> memref<1x200x128xf32, #tpu.memory_space<hbm>>
      %dma_start3A_461 = tpu.memref_squeeze %dma_start3A_460 : memref<1x200x128xf32, #tpu.memory_space<hbm>> -> memref<200x128xf32, #tpu.memory_space<hbm>>
      %dma_start3A_462 = arith.constant 0 : i32
      %dma_start3A_463 = arith.constant 0 : i32
      %dma_start3A_464 = tpu.memref_slice %arg7[%dma_start3A_449, %dma_start3A_462, %dma_start3A_463] : memref<3x200x128xf32, #tpu.memory_space<vmem>> -> memref<1x200x128xf32, #tpu.memory_space<vmem>>
      %dma_start3A_465 = tpu.memref_squeeze %dma_start3A_464 : memref<1x200x128xf32, #tpu.memory_space<vmem>> -> memref<200x128xf32, #tpu.memory_space<vmem>>
      tpu.enqueue_dma source(%dma_start3A_465 : memref<200x128xf32, #tpu.memory_space<vmem>>) target(%dma_start3A_461 : memref<200x128xf32, #tpu.memory_space<hbm>>) target_semaphore(%arg14 : memref<!tpu.dma_semaphore, #tpu.memory_space<semaphore_mem>>)
    }
    %scan3A_75 = arith.constant 10 : i32
    %dma_wait3A = arith.constant 60 : i32
    %dma_wait3A_76 = arith.constant 0 : i32
    %dma_wait3A_77 = arith.constant 0 : i32
    %dma_wait3A_78 = arith.constant 0 : i32
    %dma_wait3A_79 = tpu.memref_slice %arg7[%dma_wait3A_76, %dma_wait3A_77, %dma_wait3A_78] : memref<3x200x128xf32, #tpu.memory_space<vmem>> -> memref<1x100x128xf32, #tpu.memory_space<vmem>>
    %dma_wait3A_80 = tpu.memref_squeeze %dma_wait3A_79 : memref<1x100x128xf32, #tpu.memory_space<vmem>> -> memref<100x128xf32, #tpu.memory_space<vmem>>
    %dma_wait3A_81 = arith.constant 0 : i32
    %dma_wait3A_82 = tpu.memref_slice %arg6[%dma_wait3A, %dma_wait3A_81] : memref<64x100xi32, #tpu.memory_space<vmem>> -> memref<1x100xi32, #tpu.memory_space<vmem>>
    %dma_wait3A_83 = tpu.memref_squeeze %dma_wait3A_82 : memref<1x100xi32, #tpu.memory_space<vmem>> -> memref<100xi32, #tpu.memory_space<vmem>>
    %dma_wait3A_84 = arith.constant 0 : i32
    %dma_wait3A_85 = arith.constant 0 : i32
    %dma_wait3A_86 = tpu.memref_slice %arg3[%dma_wait3A_84, %dma_wait3A_85] : memref<100000x128xf32, #tpu.memory_space<hbm>> -> memref<100000x128xf32, #tpu.memory_space<hbm>>
    tpu.wait_indirect_dma semaphore(%arg9 : memref<!tpu.dma_semaphore, #tpu.memory_space<semaphore_mem>>) src(%dma_wait3A_86 : memref<100000x128xf32, #tpu.memory_space<hbm>>) dst(%dma_wait3A_80 : memref<100x128xf32, #tpu.memory_space<vmem>>)
    %dma_wait3A_87 = arith.constant 61 : i32
    %dma_wait3A_88 = arith.constant 0 : i32
    %dma_wait3A_89 = arith.constant 100 : i32
    %dma_wait3A_90 = arith.constant 0 : i32
    %dma_wait3A_91 = tpu.memref_slice %arg7[%dma_wait3A_88, %dma_wait3A_89, %dma_wait3A_90] : memref<3x200x128xf32, #tpu.memory_space<vmem>> -> memref<1x100x128xf32, #tpu.memory_space<vmem>>
    %dma_wait3A_92 = tpu.memref_squeeze %dma_wait3A_91 : memref<1x100x128xf32, #tpu.memory_space<vmem>> -> memref<100x128xf32, #tpu.memory_space<vmem>>
    %dma_wait3A_93 = arith.constant 0 : i32
    %dma_wait3A_94 = tpu.memref_slice %arg6[%dma_wait3A_87, %dma_wait3A_93] : memref<64x100xi32, #tpu.memory_space<vmem>> -> memref<1x100xi32, #tpu.memory_space<vmem>>
    %dma_wait3A_95 = tpu.memref_squeeze %dma_wait3A_94 : memref<1x100xi32, #tpu.memory_space<vmem>> -> memref<100xi32, #tpu.memory_space<vmem>>
    %dma_wait3A_96 = arith.constant 0 : i32
    %dma_wait3A_97 = arith.constant 0 : i32
    %dma_wait3A_98 = tpu.memref_slice %arg3[%dma_wait3A_96, %dma_wait3A_97] : memref<100000x128xf32, #tpu.memory_space<hbm>> -> memref<100000x128xf32, #tpu.memory_space<hbm>>
    tpu.wait_indirect_dma semaphore(%arg9 : memref<!tpu.dma_semaphore, #tpu.memory_space<semaphore_mem>>) src(%dma_wait3A_98 : memref<100000x128xf32, #tpu.memory_space<hbm>>) dst(%dma_wait3A_92 : memref<100x128xf32, #tpu.memory_space<vmem>>)
    %and3A = arith.constant true
    %and3A_99 = arith.constant false
    %and3A_100 = arith.andi %and3A, %and3A_99 : i1
    %convert_element_type3A = arith.extui %and3A_100 : i1 to i32
    %cond3A = arith.constant 0 : i32
    %cond3A_101 = arith.cmpi ne, %convert_element_type3A, %cond3A : i32
    scf.if %cond3A_101 {
      %mul3A_251 = arith.constant 32 : i32
      %mul3A_252 = arith.muli %add3A, %mul3A_251 : i32
      %add3A_253 = arith.constant 29 : i32
      %add3A_254 = arith.addi %mul3A_252, %add3A_253 : i32
      %dma_wait3A_255 = arith.constant 2 : i32
      %dma_wait3A_256 = arith.constant 0 : i32
      %dma_wait3A_257 = arith.constant 0 : i32
      %dma_wait3A_258 = tpu.memref_slice %arg7[%dma_wait3A_255, %dma_wait3A_256, %dma_wait3A_257] : memref<3x200x128xf32, #tpu.memory_space<vmem>> -> memref<1x200x128xf32, #tpu.memory_space<vmem>>
      %dma_wait3A_259 = tpu.memref_squeeze %dma_wait3A_258 : memref<1x200x128xf32, #tpu.memory_space<vmem>> -> memref<200x128xf32, #tpu.memory_space<vmem>>
      %dma_wait3A_260 = arith.constant 0 : i32
      %dma_wait3A_261 = arith.constant 0 : i32
      %dma_wait3A_262 = tpu.memref_slice %arg5[%add3A_254, %dma_wait3A_260, %dma_wait3A_261] : memref<1024x200x128xf32, #tpu.memory_space<hbm>> -> memref<1x200x128xf32, #tpu.memory_space<hbm>>
      %dma_wait3A_263 = tpu.memref_squeeze %dma_wait3A_262 : memref<1x200x128xf32, #tpu.memory_space<hbm>> -> memref<200x128xf32, #tpu.memory_space<hbm>>
      %dma_wait3A_264 = arith.constant 0 : i32
      %dma_wait3A_265 = arith.constant 0 : i32
      %dma_wait3A_266 = tpu.memref_slice %arg5[%add3A_254, %dma_wait3A_264, %dma_wait3A_265] : memref<1024x200x128xf32, #tpu.memory_space<hbm>> -> memref<1x200x128xf32, #tpu.memory_space<hbm>>
      %dma_wait3A_267 = tpu.memref_squeeze %dma_wait3A_266 : memref<1x200x128xf32, #tpu.memory_space<hbm>> -> memref<200x128xf32, #tpu.memory_space<hbm>>
      %dma_wait3A_268 = arith.constant 0 : i32
      %dma_wait3A_269 = arith.constant 0 : i32
      %dma_wait3A_270 = tpu.memref_slice %arg7[%dma_wait3A_255, %dma_wait3A_268, %dma_wait3A_269] : memref<3x200x128xf32, #tpu.memory_space<vmem>> -> memref<1x200x128xf32, #tpu.memory_space<vmem>>
      %dma_wait3A_271 = tpu.memref_squeeze %dma_wait3A_270 : memref<1x200x128xf32, #tpu.memory_space<vmem>> -> memref<200x128xf32, #tpu.memory_space<vmem>>
      tpu.wait_dma2 semaphore(%arg14 : memref<!tpu.dma_semaphore, #tpu.memory_space<semaphore_mem>>) src(%dma_wait3A_271 : memref<200x128xf32, #tpu.memory_space<vmem>>) dst(%dma_wait3A_267 : memref<200x128xf32, #tpu.memory_space<hbm>>)
      %dma_start3A_272 = arith.constant 64 : i32
      %dma_start3A_273 = arith.constant 2 : i32
      %dma_start3A_274 = arith.constant 0 : i32
      %dma_start3A_275 = arith.constant 0 : i32
      %dma_start3A_276 = tpu.memref_slice %arg7[%dma_start3A_273, %dma_start3A_274, %dma_start3A_275] : memref<3x200x128xf32, #tpu.memory_space<vmem>> -> memref<1x100x128xf32, #tpu.memory_space<vmem>>
      %dma_start3A_277 = tpu.memref_squeeze %dma_start3A_276 : memref<1x100x128xf32, #tpu.memory_space<vmem>> -> memref<100x128xf32, #tpu.memory_space<vmem>>
      %dma_start3A_278 = arith.constant 0 : i32
      %dma_start3A_279 = tpu.memref_slice %arg6[%dma_start3A_272, %dma_start3A_278] : memref<64x100xi32, #tpu.memory_space<vmem>> -> memref<1x100xi32, #tpu.memory_space<vmem>>
      %dma_start3A_280 = tpu.memref_squeeze %dma_start3A_279 : memref<1x100xi32, #tpu.memory_space<vmem>> -> memref<100xi32, #tpu.memory_space<vmem>>
      %dma_start3A_281 = arith.constant 0 : i32
      %dma_start3A_282 = arith.constant 0 : i32
      %dma_start3A_283 = tpu.memref_slice %arg3[%dma_start3A_281, %dma_start3A_282] : memref<100000x128xf32, #tpu.memory_space<hbm>> -> memref<100000x128xf32, #tpu.memory_space<hbm>>
      tpu.enqueue_indirect_dma source(%dma_start3A_283 : memref<100000x128xf32, #tpu.memory_space<hbm>>) target(%dma_start3A_277 : memref<100x128xf32, #tpu.memory_space<vmem>>) offsets(%dma_start3A_280 : memref<100xi32, #tpu.memory_space<vmem>>) semaphore(%arg11 : memref<!tpu.dma_semaphore, #tpu.memory_space<semaphore_mem>>)
      %dma_start3A_284 = arith.constant 65 : i32
      %dma_start3A_285 = arith.constant 2 : i32
      %dma_start3A_286 = arith.constant 100 : i32
      %dma_start3A_287 = arith.constant 0 : i32
      %dma_start3A_288 = tpu.memref_slice %arg7[%dma_start3A_285, %dma_start3A_286, %dma_start3A_287] : memref<3x200x128xf32, #tpu.memory_space<vmem>> -> memref<1x100x128xf32, #tpu.memory_space<vmem>>
      %dma_start3A_289 = tpu.memref_squeeze %dma_start3A_288 : memref<1x100x128xf32, #tpu.memory_space<vmem>> -> memref<100x128xf32, #tpu.memory_space<vmem>>
      %dma_start3A_290 = arith.constant 0 : i32
      %dma_start3A_291 = tpu.memref_slice %arg6[%dma_start3A_284, %dma_start3A_290] : memref<64x100xi32, #tpu.memory_space<vmem>> -> memref<1x100xi32, #tpu.memory_space<vmem>>
      %dma_start3A_292 = tpu.memref_squeeze %dma_start3A_291 : memref<1x100xi32, #tpu.memory_space<vmem>> -> memref<100xi32, #tpu.memory_space<vmem>>
      %dma_start3A_293 = arith.constant 0 : i32
      %dma_start3A_294 = arith.constant 0 : i32
      %dma_start3A_295 = tpu.memref_slice %arg3[%dma_start3A_293, %dma_start3A_294] : memref<100000x128xf32, #tpu.memory_space<hbm>> -> memref<100000x128xf32, #tpu.memory_space<hbm>>
      tpu.enqueue_indirect_dma source(%dma_start3A_295 : memref<100000x128xf32, #tpu.memory_space<hbm>>) target(%dma_start3A_289 : memref<100x128xf32, #tpu.memory_space<vmem>>) offsets(%dma_start3A_292 : memref<100xi32, #tpu.memory_space<vmem>>) semaphore(%arg11 : memref<!tpu.dma_semaphore, #tpu.memory_space<semaphore_mem>>)
    } else {
    }
    %scan3A_102 = arith.constant 0 : i32
    %scan3A_103 = arith.constant 0 : i32
    %scan3A_104 = arith.constant 200 : i32
    %scan3A_105 = arith.addi %scan3A_103, %scan3A_104 : i32
    %scan3A_106 = arith.constant 2 : i32
    %scan3A_107 = scf.for %scan3A_251 = %scan3A_103 to %scan3A_105 step %scan3A_106 iter_args(%scan3A_252 = %scan3A_102) -> (i32)  : i32 {
      %get3A = arith.index_cast %scan3A_251 : i32 to index
      %get3A_253 = arith.constant 0 : index
      %get3A_254 = tpu.vector_load %arg8[%get3A, %get3A_253] {strides = array<i32>} : memref<200x128xf32, #tpu.memory_space<vmem>>, vector<1x16xf32>,
      %get3A_255 = vector.shape_cast %get3A_254 : vector<1x16xf32> to vector<16xf32>
      %swap3A = arith.constant 0 : i32
      %swap3A_256 = arith.index_cast %swap3A : i32 to index
      %swap3A_257 = arith.index_cast %scan3A_251 : i32 to index
      %swap3A_258 = arith.constant 0 : index
      %swap3A_259 = tpu.vector_load %arg7[%swap3A_256, %swap3A_257, %swap3A_258] {strides = array<i32>} : memref<3x200x128xf32, #tpu.memory_space<vmem>>, vector<1x1x16xf32>,
      %swap3A_260 = vector.shape_cast %swap3A_259 : vector<1x1x16xf32> to vector<16xf32>
      %swap3A_261 = vector.shape_cast %get3A_255 : vector<16xf32> to vector<1x1x16xf32>
      tpu.vector_store %arg7[%swap3A_256, %swap3A_257, %swap3A_258], %swap3A_261 {add = true, strides = array<i32>} : memref<3x200x128xf32, #tpu.memory_space<vmem>>, vector<1x1x16xf32>,
      %get3A_262 = arith.index_cast %scan3A_251 : i32 to index
      %get3A_263 = arith.constant 16 : index
      %get3A_264 = tpu.vector_load %arg8[%get3A_262, %get3A_263] {strides = array<i32>} : memref<200x128xf32, #tpu.memory_space<vmem>>, vector<1x16xf32>,
      %get3A_265 = vector.shape_cast %get3A_264 : vector<1x16xf32> to vector<16xf32>
      %swap3A_266 = arith.constant 0 : i32
      %swap3A_267 = arith.index_cast %swap3A_266 : i32 to index
      %swap3A_268 = arith.index_cast %scan3A_251 : i32 to index
      %swap3A_269 = arith.constant 16 : index
      %swap3A_270 = tpu.vector_load %arg7[%swap3A_267, %swap3A_268, %swap3A_269] {strides = array<i32>} : memref<3x200x128xf32, #tpu.memory_space<vmem>>, vector<1x1x16xf32>,
      %swap3A_271 = vector.shape_cast %swap3A_270 : vector<1x1x16xf32> to vector<16xf32>
      %swap3A_272 = vector.shape_cast %get3A_265 : vector<16xf32> to vector<1x1x16xf32>
      tpu.vector_store %arg7[%swap3A_267, %swap3A_268, %swap3A_269], %swap3A_272 {add = true, strides = array<i32>} : memref<3x200x128xf32, #tpu.memory_space<vmem>>, vector<1x1x16xf32>,
      %get3A_273 = arith.index_cast %scan3A_251 : i32 to index
      %get3A_274 = arith.constant 32 : index
      %get3A_275 = tpu.vector_load %arg8[%get3A_273, %get3A_274] {strides = array<i32>} : memref<200x128xf32, #tpu.memory_space<vmem>>, vector<1x16xf32>,
      %get3A_276 = vector.shape_cast %get3A_275 : vector<1x16xf32> to vector<16xf32>
      %swap3A_277 = arith.constant 0 : i32
      %swap3A_278 = arith.index_cast %swap3A_277 : i32 to index
      %swap3A_279 = arith.index_cast %scan3A_251 : i32 to index
      %swap3A_280 = arith.constant 32 : index
      %swap3A_281 = tpu.vector_load %arg7[%swap3A_278, %swap3A_279, %swap3A_280] {strides = array<i32>} : memref<3x200x128xf32, #tpu.memory_space<vmem>>, vector<1x1x16xf32>,
      %swap3A_282 = vector.shape_cast %swap3A_281 : vector<1x1x16xf32> to vector<16xf32>
      %swap3A_283 = vector.shape_cast %get3A_276 : vector<16xf32> to vector<1x1x16xf32>
      tpu.vector_store %arg7[%swap3A_278, %swap3A_279, %swap3A_280], %swap3A_283 {add = true, strides = array<i32>} : memref<3x200x128xf32, #tpu.memory_space<vmem>>, vector<1x1x16xf32>,
      %get3A_284 = arith.index_cast %scan3A_251 : i32 to index
      %get3A_285 = arith.constant 48 : index
      %get3A_286 = tpu.vector_load %arg8[%get3A_284, %get3A_285] {strides = array<i32>} : memref<200x128xf32, #tpu.memory_space<vmem>>, vector<1x16xf32>,
      %get3A_287 = vector.shape_cast %get3A_286 : vector<1x16xf32> to vector<16xf32>
      %swap3A_288 = arith.constant 0 : i32
      %swap3A_289 = arith.index_cast %swap3A_288 : i32 to index
      %swap3A_290 = arith.index_cast %scan3A_251 : i32 to index
      %swap3A_291 = arith.constant 48 : index
      %swap3A_292 = tpu.vector_load %arg7[%swap3A_289, %swap3A_290, %swap3A_291] {strides = array<i32>} : memref<3x200x128xf32, #tpu.memory_space<vmem>>, vector<1x1x16xf32>,
      %swap3A_293 = vector.shape_cast %swap3A_292 : vector<1x1x16xf32> to vector<16xf32>
      %swap3A_294 = vector.shape_cast %get3A_287 : vector<16xf32> to vector<1x1x16xf32>
      tpu.vector_store %arg7[%swap3A_289, %swap3A_290, %swap3A_291], %swap3A_294 {add = true, strides = array<i32>} : memref<3x200x128xf32, #tpu.memory_space<vmem>>, vector<1x1x16xf32>,
      %get3A_295 = arith.index_cast %scan3A_251 : i32 to index
      %get3A_296 = arith.constant 64 : index
      %get3A_297 = tpu.vector_load %arg8[%get3A_295, %get3A_296] {strides = array<i32>} : memref<200x128xf32, #tpu.memory_space<vmem>>, vector<1x16xf32>,
      %get3A_298 = vector.shape_cast %get3A_297 : vector<1x16xf32> to vector<16xf32>
      %swap3A_299 = arith.constant 0 : i32
      %swap3A_300 = arith.index_cast %swap3A_299 : i32 to index
      %swap3A_301 = arith.index_cast %scan3A_251 : i32 to index
      %swap3A_302 = arith.constant 64 : index
      %swap3A_303 = tpu.vector_load %arg7[%swap3A_300, %swap3A_301, %swap3A_302] {strides = array<i32>} : memref<3x200x128xf32, #tpu.memory_space<vmem>>, vector<1x1x16xf32>,
      %swap3A_304 = vector.shape_cast %swap3A_303 : vector<1x1x16xf32> to vector<16xf32>
      %swap3A_305 = vector.shape_cast %get3A_298 : vector<16xf32> to vector<1x1x16xf32>
      tpu.vector_store %arg7[%swap3A_300, %swap3A_301, %swap3A_302], %swap3A_305 {add = true, strides = array<i32>} : memref<3x200x128xf32, #tpu.memory_space<vmem>>, vector<1x1x16xf32>,
      %get3A_306 = arith.index_cast %scan3A_251 : i32 to index
      %get3A_307 = arith.constant 80 : index
      %get3A_308 = tpu.vector_load %arg8[%get3A_306, %get3A_307] {strides = array<i32>} : memref<200x128xf32, #tpu.memory_space<vmem>>, vector<1x16xf32>,
      %get3A_309 = vector.shape_cast %get3A_308 : vector<1x16xf32> to vector<16xf32>
      %swap3A_310 = arith.constant 0 : i32
      %swap3A_311 = arith.index_cast %swap3A_310 : i32 to index
      %swap3A_312 = arith.index_cast %scan3A_251 : i32 to index
      %swap3A_313 = arith.constant 80 : index
      %swap3A_314 = tpu.vector_load %arg7[%swap3A_311, %swap3A_312, %swap3A_313] {strides = array<i32>} : memref<3x200x128xf32, #tpu.memory_space<vmem>>, vector<1x1x16xf32>,
      %swap3A_315 = vector.shape_cast %swap3A_314 : vector<1x1x16xf32> to vector<16xf32>
      %swap3A_316 = vector.shape_cast %get3A_309 : vector<16xf32> to vector<1x1x16xf32>
      tpu.vector_store %arg7[%swap3A_311, %swap3A_312, %swap3A_313], %swap3A_316 {add = true, strides = array<i32>} : memref<3x200x128xf32, #tpu.memory_space<vmem>>, vector<1x1x16xf32>,
      %get3A_317 = arith.index_cast %scan3A_251 : i32 to index
      %get3A_318 = arith.constant 96 : index
      %get3A_319 = tpu.vector_load %arg8[%get3A_317, %get3A_318] {strides = array<i32>} : memref<200x128xf32, #tpu.memory_space<vmem>>, vector<1x16xf32>,
      %get3A_320 = vector.shape_cast %get3A_319 : vector<1x16xf32> to vector<16xf32>
      %swap3A_321 = arith.constant 0 : i32
      %swap3A_322 = arith.index_cast %swap3A_321 : i32 to index
      %swap3A_323 = arith.index_cast %scan3A_251 : i32 to index
      %swap3A_324 = arith.constant 96 : index
      %swap3A_325 = tpu.vector_load %arg7[%swap3A_322, %swap3A_323, %swap3A_324] {strides = array<i32>} : memref<3x200x128xf32, #tpu.memory_space<vmem>>, vector<1x1x16xf32>,
      %swap3A_326 = vector.shape_cast %swap3A_325 : vector<1x1x16xf32> to vector<16xf32>
      %swap3A_327 = vector.shape_cast %get3A_320 : vector<16xf32> to vector<1x1x16xf32>
      tpu.vector_store %arg7[%swap3A_322, %swap3A_323, %swap3A_324], %swap3A_327 {add = true, strides = array<i32>} : memref<3x200x128xf32, #tpu.memory_space<vmem>>, vector<1x1x16xf32>,
      %get3A_328 = arith.index_cast %scan3A_251 : i32 to index
      %get3A_329 = arith.constant 112 : index
      %get3A_330 = tpu.vector_load %arg8[%get3A_328, %get3A_329] {strides = array<i32>} : memref<200x128xf32, #tpu.memory_space<vmem>>, vector<1x16xf32>,
      %get3A_331 = vector.shape_cast %get3A_330 : vector<1x16xf32> to vector<16xf32>
      %swap3A_332 = arith.constant 0 : i32
      %swap3A_333 = arith.index_cast %swap3A_332 : i32 to index
      %swap3A_334 = arith.index_cast %scan3A_251 : i32 to index
      %swap3A_335 = arith.constant 112 : index
      %swap3A_336 = tpu.vector_load %arg7[%swap3A_333, %swap3A_334, %swap3A_335] {strides = array<i32>} : memref<3x200x128xf32, #tpu.memory_space<vmem>>, vector<1x1x16xf32>,
      %swap3A_337 = vector.shape_cast %swap3A_336 : vector<1x1x16xf32> to vector<16xf32>
      %swap3A_338 = vector.shape_cast %get3A_331 : vector<16xf32> to vector<1x1x16xf32>
      tpu.vector_store %arg7[%swap3A_333, %swap3A_334, %swap3A_335], %swap3A_338 {add = true, strides = array<i32>} : memref<3x200x128xf32, #tpu.memory_space<vmem>>, vector<1x1x16xf32>,
      %scan3A_339 = arith.constant 0 : i32
      %scan3A_340 = arith.constant 1 : i32
      %scan3A_341 = arith.addi %scan3A_251, %scan3A_340 : i32
      %get3A_342 = arith.index_cast %scan3A_341 : i32 to index
      %get3A_343 = arith.constant 0 : index
      %get3A_344 = tpu.vector_load %arg8[%get3A_342, %get3A_343] {strides = array<i32>} : memref<200x128xf32, #tpu.memory_space<vmem>>, vector<1x16xf32>,
      %get3A_345 = vector.shape_cast %get3A_344 : vector<1x16xf32> to vector<16xf32>
      %swap3A_346 = arith.constant 0 : i32
      %swap3A_347 = arith.index_cast %swap3A_346 : i32 to index
      %swap3A_348 = arith.index_cast %scan3A_341 : i32 to index
      %swap3A_349 = arith.constant 0 : index
      %swap3A_350 = tpu.vector_load %arg7[%swap3A_347, %swap3A_348, %swap3A_349] {strides = array<i32>} : memref<3x200x128xf32, #tpu.memory_space<vmem>>, vector<1x1x16xf32>,
      %swap3A_351 = vector.shape_cast %swap3A_350 : vector<1x1x16xf32> to vector<16xf32>
      %swap3A_352 = vector.shape_cast %get3A_345 : vector<16xf32> to vector<1x1x16xf32>
      tpu.vector_store %arg7[%swap3A_347, %swap3A_348, %swap3A_349], %swap3A_352 {add = true, strides = array<i32>} : memref<3x200x128xf32, #tpu.memory_space<vmem>>, vector<1x1x16xf32>,
      %get3A_353 = arith.index_cast %scan3A_341 : i32 to index
      %get3A_354 = arith.constant 16 : index
      %get3A_355 = tpu.vector_load %arg8[%get3A_353, %get3A_354] {strides = array<i32>} : memref<200x128xf32, #tpu.memory_space<vmem>>, vector<1x16xf32>,
      %get3A_356 = vector.shape_cast %get3A_355 : vector<1x16xf32> to vector<16xf32>
      %swap3A_357 = arith.constant 0 : i32
      %swap3A_358 = arith.index_cast %swap3A_357 : i32 to index
      %swap3A_359 = arith.index_cast %scan3A_341 : i32 to index
      %swap3A_360 = arith.constant 16 : index
      %swap3A_361 = tpu.vector_load %arg7[%swap3A_358, %swap3A_359, %swap3A_360] {strides = array<i32>} : memref<3x200x128xf32, #tpu.memory_space<vmem>>, vector<1x1x16xf32>,
      %swap3A_362 = vector.shape_cast %swap3A_361 : vector<1x1x16xf32> to vector<16xf32>
      %swap3A_363 = vector.shape_cast %get3A_356 : vector<16xf32> to vector<1x1x16xf32>
      tpu.vector_store %arg7[%swap3A_358, %swap3A_359, %swap3A_360], %swap3A_363 {add = true, strides = array<i32>} : memref<3x200x128xf32, #tpu.memory_space<vmem>>, vector<1x1x16xf32>,
      %get3A_364 = arith.index_cast %scan3A_341 : i32 to index
      %get3A_365 = arith.constant 32 : index
      %get3A_366 = tpu.vector_load %arg8[%get3A_364, %get3A_365] {strides = array<i32>} : memref<200x128xf32, #tpu.memory_space<vmem>>, vector<1x16xf32>,
      %get3A_367 = vector.shape_cast %get3A_366 : vector<1x16xf32> to vector<16xf32>
      %swap3A_368 = arith.constant 0 : i32
      %swap3A_369 = arith.index_cast %swap3A_368 : i32 to index
      %swap3A_370 = arith.index_cast %scan3A_341 : i32 to index
      %swap3A_371 = arith.constant 32 : index
      %swap3A_372 = tpu.vector_load %arg7[%swap3A_369, %swap3A_370, %swap3A_371] {strides = array<i32>} : memref<3x200x128xf32, #tpu.memory_space<vmem>>, vector<1x1x16xf32>,
      %swap3A_373 = vector.shape_cast %swap3A_372 : vector<1x1x16xf32> to vector<16xf32>
      %swap3A_374 = vector.shape_cast %get3A_367 : vector<16xf32> to vector<1x1x16xf32>
      tpu.vector_store %arg7[%swap3A_369, %swap3A_370, %swap3A_371], %swap3A_374 {add = true, strides = array<i32>} : memref<3x200x128xf32, #tpu.memory_space<vmem>>, vector<1x1x16xf32>,
      %get3A_375 = arith.index_cast %scan3A_341 : i32 to index
      %get3A_376 = arith.constant 48 : index
      %get3A_377 = tpu.vector_load %arg8[%get3A_375, %get3A_376] {strides = array<i32>} : memref<200x128xf32, #tpu.memory_space<vmem>>, vector<1x16xf32>,
      %get3A_378 = vector.shape_cast %get3A_377 : vector<1x16xf32> to vector<16xf32>
      %swap3A_379 = arith.constant 0 : i32
      %swap3A_380 = arith.index_cast %swap3A_379 : i32 to index
      %swap3A_381 = arith.index_cast %scan3A_341 : i32 to index
      %swap3A_382 = arith.constant 48 : index
      %swap3A_383 = tpu.vector_load %arg7[%swap3A_380, %swap3A_381, %swap3A_382] {strides = array<i32>} : memref<3x200x128xf32, #tpu.memory_space<vmem>>, vector<1x1x16xf32>,
      %swap3A_384 = vector.shape_cast %swap3A_383 : vector<1x1x16xf32> to vector<16xf32>
      %swap3A_385 = vector.shape_cast %get3A_378 : vector<16xf32> to vector<1x1x16xf32>
      tpu.vector_store %arg7[%swap3A_380, %swap3A_381, %swap3A_382], %swap3A_385 {add = true, strides = array<i32>} : memref<3x200x128xf32, #tpu.memory_space<vmem>>, vector<1x1x16xf32>,
      %get3A_386 = arith.index_cast %scan3A_341 : i32 to index
      %get3A_387 = arith.constant 64 : index
      %get3A_388 = tpu.vector_load %arg8[%get3A_386, %get3A_387] {strides = array<i32>} : memref<200x128xf32, #tpu.memory_space<vmem>>, vector<1x16xf32>,
      %get3A_389 = vector.shape_cast %get3A_388 : vector<1x16xf32> to vector<16xf32>
      %swap3A_390 = arith.constant 0 : i32
      %swap3A_391 = arith.index_cast %swap3A_390 : i32 to index
      %swap3A_392 = arith.index_cast %scan3A_341 : i32 to index
      %swap3A_393 = arith.constant 64 : index
      %swap3A_394 = tpu.vector_load %arg7[%swap3A_391, %swap3A_392, %swap3A_393] {strides = array<i32>} : memref<3x200x128xf32, #tpu.memory_space<vmem>>, vector<1x1x16xf32>,
      %swap3A_395 = vector.shape_cast %swap3A_394 : vector<1x1x16xf32> to vector<16xf32>
      %swap3A_396 = vector.shape_cast %get3A_389 : vector<16xf32> to vector<1x1x16xf32>
      tpu.vector_store %arg7[%swap3A_391, %swap3A_392, %swap3A_393], %swap3A_396 {add = true, strides = array<i32>} : memref<3x200x128xf32, #tpu.memory_space<vmem>>, vector<1x1x16xf32>,
      %get3A_397 = arith.index_cast %scan3A_341 : i32 to index
      %get3A_398 = arith.constant 80 : index
      %get3A_399 = tpu.vector_load %arg8[%get3A_397, %get3A_398] {strides = array<i32>} : memref<200x128xf32, #tpu.memory_space<vmem>>, vector<1x16xf32>,
      %get3A_400 = vector.shape_cast %get3A_399 : vector<1x16xf32> to vector<16xf32>
      %swap3A_401 = arith.constant 0 : i32
      %swap3A_402 = arith.index_cast %swap3A_401 : i32 to index
      %swap3A_403 = arith.index_cast %scan3A_341 : i32 to index
      %swap3A_404 = arith.constant 80 : index
      %swap3A_405 = tpu.vector_load %arg7[%swap3A_402, %swap3A_403, %swap3A_404] {strides = array<i32>} : memref<3x200x128xf32, #tpu.memory_space<vmem>>, vector<1x1x16xf32>,
      %swap3A_406 = vector.shape_cast %swap3A_405 : vector<1x1x16xf32> to vector<16xf32>
      %swap3A_407 = vector.shape_cast %get3A_400 : vector<16xf32> to vector<1x1x16xf32>
      tpu.vector_store %arg7[%swap3A_402, %swap3A_403, %swap3A_404], %swap3A_407 {add = true, strides = array<i32>} : memref<3x200x128xf32, #tpu.memory_space<vmem>>, vector<1x1x16xf32>,
      %get3A_408 = arith.index_cast %scan3A_341 : i32 to index
      %get3A_409 = arith.constant 96 : index
      %get3A_410 = tpu.vector_load %arg8[%get3A_408, %get3A_409] {strides = array<i32>} : memref<200x128xf32, #tpu.memory_space<vmem>>, vector<1x16xf32>,
      %get3A_411 = vector.shape_cast %get3A_410 : vector<1x16xf32> to vector<16xf32>
      %swap3A_412 = arith.constant 0 : i32
      %swap3A_413 = arith.index_cast %swap3A_412 : i32 to index
      %swap3A_414 = arith.index_cast %scan3A_341 : i32 to index
      %swap3A_415 = arith.constant 96 : index
      %swap3A_416 = tpu.vector_load %arg7[%swap3A_413, %swap3A_414, %swap3A_415] {strides = array<i32>} : memref<3x200x128xf32, #tpu.memory_space<vmem>>, vector<1x1x16xf32>,
      %swap3A_417 = vector.shape_cast %swap3A_416 : vector<1x1x16xf32> to vector<16xf32>
      %swap3A_418 = vector.shape_cast %get3A_411 : vector<16xf32> to vector<1x1x16xf32>
      tpu.vector_store %arg7[%swap3A_413, %swap3A_414, %swap3A_415], %swap3A_418 {add = true, strides = array<i32>} : memref<3x200x128xf32, #tpu.memory_space<vmem>>, vector<1x1x16xf32>,
      %get3A_419 = arith.index_cast %scan3A_341 : i32 to index
      %get3A_420 = arith.constant 112 : index
      %get3A_421 = tpu.vector_load %arg8[%get3A_419, %get3A_420] {strides = array<i32>} : memref<200x128xf32, #tpu.memory_space<vmem>>, vector<1x16xf32>,
      %get3A_422 = vector.shape_cast %get3A_421 : vector<1x16xf32> to vector<16xf32>
      %swap3A_423 = arith.constant 0 : i32
      %swap3A_424 = arith.index_cast %swap3A_423 : i32 to index
      %swap3A_425 = arith.index_cast %scan3A_341 : i32 to index
      %swap3A_426 = arith.constant 112 : index
      %swap3A_427 = tpu.vector_load %arg7[%swap3A_424, %swap3A_425, %swap3A_426] {strides = array<i32>} : memref<3x200x128xf32, #tpu.memory_space<vmem>>, vector<1x1x16xf32>,
      %swap3A_428 = vector.shape_cast %swap3A_427 : vector<1x1x16xf32> to vector<16xf32>
      %swap3A_429 = vector.shape_cast %get3A_422 : vector<16xf32> to vector<1x1x16xf32>
      tpu.vector_store %arg7[%swap3A_424, %swap3A_425, %swap3A_426], %swap3A_429 {add = true, strides = array<i32>} : memref<3x200x128xf32, #tpu.memory_space<vmem>>, vector<1x1x16xf32>,
      %scan3A_430 = arith.constant 0 : i32
      scf.yield %scan3A_430 : i32
    }
    %scan3A_108 = arith.constant 200 : i32
    %mul3A_109 = arith.constant 32 : i32
    %mul3A_110 = arith.muli %add3A, %mul3A_109 : i32
    %add3A_111 = arith.constant 30 : i32
    %add3A_112 = arith.addi %mul3A_110, %add3A_111 : i32
    %dma_start3A_113 = arith.constant 0 : i32
    %dma_start3A_114 = arith.constant 0 : i32
    %dma_start3A_115 = arith.constant 0 : i32
    %dma_start3A_116 = tpu.memref_slice %arg7[%dma_start3A_113, %dma_start3A_114, %dma_start3A_115] : memref<3x200x128xf32, #tpu.memory_space<vmem>> -> memref<1x200x128xf32, #tpu.memory_space<vmem>>
    %dma_start3A_117 = tpu.memref_squeeze %dma_start3A_116 : memref<1x200x128xf32, #tpu.memory_space<vmem>> -> memref<200x128xf32, #tpu.memory_space<vmem>>
    %dma_start3A_118 = arith.constant 0 : i32
    %dma_start3A_119 = arith.constant 0 : i32
    %dma_start3A_120 = tpu.memref_slice %arg5[%add3A_112, %dma_start3A_118, %dma_start3A_119] : memref<1024x200x128xf32, #tpu.memory_space<hbm>> -> memref<1x200x128xf32, #tpu.memory_space<hbm>>
    %dma_start3A_121 = tpu.memref_squeeze %dma_start3A_120 : memref<1x200x128xf32, #tpu.memory_space<hbm>> -> memref<200x128xf32, #tpu.memory_space<hbm>>
    %dma_start3A_122 = arith.constant 0 : i32
    %dma_start3A_123 = arith.constant 0 : i32
    %dma_start3A_124 = tpu.memref_slice %arg5[%add3A_112, %dma_start3A_122, %dma_start3A_123] : memref<1024x200x128xf32, #tpu.memory_space<hbm>> -> memref<1x200x128xf32, #tpu.memory_space<hbm>>
    %dma_start3A_125 = tpu.memref_squeeze %dma_start3A_124 : memref<1x200x128xf32, #tpu.memory_space<hbm>> -> memref<200x128xf32, #tpu.memory_space<hbm>>
    %dma_start3A_126 = arith.constant 0 : i32
    %dma_start3A_127 = arith.constant 0 : i32
    %dma_start3A_128 = tpu.memref_slice %arg7[%dma_start3A_113, %dma_start3A_126, %dma_start3A_127] : memref<3x200x128xf32, #tpu.memory_space<vmem>> -> memref<1x200x128xf32, #tpu.memory_space<vmem>>
    %dma_start3A_129 = tpu.memref_squeeze %dma_start3A_128 : memref<1x200x128xf32, #tpu.memory_space<vmem>> -> memref<200x128xf32, #tpu.memory_space<vmem>>
    tpu.enqueue_dma source(%dma_start3A_129 : memref<200x128xf32, #tpu.memory_space<vmem>>) target(%dma_start3A_125 : memref<200x128xf32, #tpu.memory_space<hbm>>) target_semaphore(%arg12 : memref<!tpu.dma_semaphore, #tpu.memory_space<semaphore_mem>>)
    %dma_wait3A_130 = arith.constant 62 : i32
    %dma_wait3A_131 = arith.constant 1 : i32
    %dma_wait3A_132 = arith.constant 0 : i32
    %dma_wait3A_133 = arith.constant 0 : i32
    %dma_wait3A_134 = tpu.memref_slice %arg7[%dma_wait3A_131, %dma_wait3A_132, %dma_wait3A_133] : memref<3x200x128xf32, #tpu.memory_space<vmem>> -> memref<1x100x128xf32, #tpu.memory_space<vmem>>
    %dma_wait3A_135 = tpu.memref_squeeze %dma_wait3A_134 : memref<1x100x128xf32, #tpu.memory_space<vmem>> -> memref<100x128xf32, #tpu.memory_space<vmem>>
    %dma_wait3A_136 = arith.constant 0 : i32
    %dma_wait3A_137 = tpu.memref_slice %arg6[%dma_wait3A_130, %dma_wait3A_136] : memref<64x100xi32, #tpu.memory_space<vmem>> -> memref<1x100xi32, #tpu.memory_space<vmem>>
    %dma_wait3A_138 = tpu.memref_squeeze %dma_wait3A_137 : memref<1x100xi32, #tpu.memory_space<vmem>> -> memref<100xi32, #tpu.memory_space<vmem>>
    %dma_wait3A_139 = arith.constant 0 : i32
    %dma_wait3A_140 = arith.constant 0 : i32
    %dma_wait3A_141 = tpu.memref_slice %arg3[%dma_wait3A_139, %dma_wait3A_140] : memref<100000x128xf32, #tpu.memory_space<hbm>> -> memref<100000x128xf32, #tpu.memory_space<hbm>>
    tpu.wait_indirect_dma semaphore(%arg10 : memref<!tpu.dma_semaphore, #tpu.memory_space<semaphore_mem>>) src(%dma_wait3A_141 : memref<100000x128xf32, #tpu.memory_space<hbm>>) dst(%dma_wait3A_135 : memref<100x128xf32, #tpu.memory_space<vmem>>)
    %dma_wait3A_142 = arith.constant 63 : i32
    %dma_wait3A_143 = arith.constant 1 : i32
    %dma_wait3A_144 = arith.constant 100 : i32
    %dma_wait3A_145 = arith.constant 0 : i32
    %dma_wait3A_146 = tpu.memref_slice %arg7[%dma_wait3A_143, %dma_wait3A_144, %dma_wait3A_145] : memref<3x200x128xf32, #tpu.memory_space<vmem>> -> memref<1x100x128xf32, #tpu.memory_space<vmem>>
    %dma_wait3A_147 = tpu.memref_squeeze %dma_wait3A_146 : memref<1x100x128xf32, #tpu.memory_space<vmem>> -> memref<100x128xf32, #tpu.memory_space<vmem>>
    %dma_wait3A_148 = arith.constant 0 : i32
    %dma_wait3A_149 = tpu.memref_slice %arg6[%dma_wait3A_142, %dma_wait3A_148] : memref<64x100xi32, #tpu.memory_space<vmem>> -> memref<1x100xi32, #tpu.memory_space<vmem>>
    %dma_wait3A_150 = tpu.memref_squeeze %dma_wait3A_149 : memref<1x100xi32, #tpu.memory_space<vmem>> -> memref<100xi32, #tpu.memory_space<vmem>>
    %dma_wait3A_151 = arith.constant 0 : i32
    %dma_wait3A_152 = arith.constant 0 : i32
    %dma_wait3A_153 = tpu.memref_slice %arg3[%dma_wait3A_151, %dma_wait3A_152] : memref<100000x128xf32, #tpu.memory_space<hbm>> -> memref<100000x128xf32, #tpu.memory_space<hbm>>
    tpu.wait_indirect_dma semaphore(%arg10 : memref<!tpu.dma_semaphore, #tpu.memory_space<semaphore_mem>>) src(%dma_wait3A_153 : memref<100000x128xf32, #tpu.memory_space<hbm>>) dst(%dma_wait3A_147 : memref<100x128xf32, #tpu.memory_space<vmem>>)
    %and3A_154 = arith.constant true
    %and3A_155 = arith.constant false
    %and3A_156 = arith.andi %and3A_154, %and3A_155 : i1
    %convert_element_type3A_157 = arith.extui %and3A_156 : i1 to i32
    %cond3A_158 = arith.constant 0 : i32
    %cond3A_159 = arith.cmpi ne, %convert_element_type3A_157, %cond3A_158 : i32
    scf.if %cond3A_159 {
      %mul3A_251 = arith.constant 32 : i32
      %mul3A_252 = arith.muli %add3A, %mul3A_251 : i32
      %add3A_253 = arith.constant 30 : i32
      %add3A_254 = arith.addi %mul3A_252, %add3A_253 : i32
      %dma_wait3A_255 = arith.constant 0 : i32
      %dma_wait3A_256 = arith.constant 0 : i32
      %dma_wait3A_257 = arith.constant 0 : i32
      %dma_wait3A_258 = tpu.memref_slice %arg7[%dma_wait3A_255, %dma_wait3A_256, %dma_wait3A_257] : memref<3x200x128xf32, #tpu.memory_space<vmem>> -> memref<1x200x128xf32, #tpu.memory_space<vmem>>
      %dma_wait3A_259 = tpu.memref_squeeze %dma_wait3A_258 : memref<1x200x128xf32, #tpu.memory_space<vmem>> -> memref<200x128xf32, #tpu.memory_space<vmem>>
      %dma_wait3A_260 = arith.constant 0 : i32
      %dma_wait3A_261 = arith.constant 0 : i32
      %dma_wait3A_262 = tpu.memref_slice %arg5[%add3A_254, %dma_wait3A_260, %dma_wait3A_261] : memref<1024x200x128xf32, #tpu.memory_space<hbm>> -> memref<1x200x128xf32, #tpu.memory_space<hbm>>
      %dma_wait3A_263 = tpu.memref_squeeze %dma_wait3A_262 : memref<1x200x128xf32, #tpu.memory_space<hbm>> -> memref<200x128xf32, #tpu.memory_space<hbm>>
      %dma_wait3A_264 = arith.constant 0 : i32
      %dma_wait3A_265 = arith.constant 0 : i32
      %dma_wait3A_266 = tpu.memref_slice %arg5[%add3A_254, %dma_wait3A_264, %dma_wait3A_265] : memref<1024x200x128xf32, #tpu.memory_space<hbm>> -> memref<1x200x128xf32, #tpu.memory_space<hbm>>
      %dma_wait3A_267 = tpu.memref_squeeze %dma_wait3A_266 : memref<1x200x128xf32, #tpu.memory_space<hbm>> -> memref<200x128xf32, #tpu.memory_space<hbm>>
      %dma_wait3A_268 = arith.constant 0 : i32
      %dma_wait3A_269 = arith.constant 0 : i32
      %dma_wait3A_270 = tpu.memref_slice %arg7[%dma_wait3A_255, %dma_wait3A_268, %dma_wait3A_269] : memref<3x200x128xf32, #tpu.memory_space<vmem>> -> memref<1x200x128xf32, #tpu.memory_space<vmem>>
      %dma_wait3A_271 = tpu.memref_squeeze %dma_wait3A_270 : memref<1x200x128xf32, #tpu.memory_space<vmem>> -> memref<200x128xf32, #tpu.memory_space<vmem>>
      tpu.wait_dma2 semaphore(%arg12 : memref<!tpu.dma_semaphore, #tpu.memory_space<semaphore_mem>>) src(%dma_wait3A_271 : memref<200x128xf32, #tpu.memory_space<vmem>>) dst(%dma_wait3A_267 : memref<200x128xf32, #tpu.memory_space<hbm>>)
      %dma_start3A_272 = arith.constant 66 : i32
      %dma_start3A_273 = arith.constant 0 : i32
      %dma_start3A_274 = arith.constant 0 : i32
      %dma_start3A_275 = arith.constant 0 : i32
      %dma_start3A_276 = tpu.memref_slice %arg7[%dma_start3A_273, %dma_start3A_274, %dma_start3A_275] : memref<3x200x128xf32, #tpu.memory_space<vmem>> -> memref<1x100x128xf32, #tpu.memory_space<vmem>>
      %dma_start3A_277 = tpu.memref_squeeze %dma_start3A_276 : memref<1x100x128xf32, #tpu.memory_space<vmem>> -> memref<100x128xf32, #tpu.memory_space<vmem>>
      %dma_start3A_278 = arith.constant 0 : i32
      %dma_start3A_279 = tpu.memref_slice %arg6[%dma_start3A_272, %dma_start3A_278] : memref<64x100xi32, #tpu.memory_space<vmem>> -> memref<1x100xi32, #tpu.memory_space<vmem>>
      %dma_start3A_280 = tpu.memref_squeeze %dma_start3A_279 : memref<1x100xi32, #tpu.memory_space<vmem>> -> memref<100xi32, #tpu.memory_space<vmem>>
      %dma_start3A_281 = arith.constant 0 : i32
      %dma_start3A_282 = arith.constant 0 : i32
      %dma_start3A_283 = tpu.memref_slice %arg3[%dma_start3A_281, %dma_start3A_282] : memref<100000x128xf32, #tpu.memory_space<hbm>> -> memref<100000x128xf32, #tpu.memory_space<hbm>>
      tpu.enqueue_indirect_dma source(%dma_start3A_283 : memref<100000x128xf32, #tpu.memory_space<hbm>>) target(%dma_start3A_277 : memref<100x128xf32, #tpu.memory_space<vmem>>) offsets(%dma_start3A_280 : memref<100xi32, #tpu.memory_space<vmem>>) semaphore(%arg9 : memref<!tpu.dma_semaphore, #tpu.memory_space<semaphore_mem>>)
      %dma_start3A_284 = arith.constant 67 : i32
      %dma_start3A_285 = arith.constant 0 : i32
      %dma_start3A_286 = arith.constant 100 : i32
      %dma_start3A_287 = arith.constant 0 : i32
      %dma_start3A_288 = tpu.memref_slice %arg7[%dma_start3A_285, %dma_start3A_286, %dma_start3A_287] : memref<3x200x128xf32, #tpu.memory_space<vmem>> -> memref<1x100x128xf32, #tpu.memory_space<vmem>>
      %dma_start3A_289 = tpu.memref_squeeze %dma_start3A_288 : memref<1x100x128xf32, #tpu.memory_space<vmem>> -> memref<100x128xf32, #tpu.memory_space<vmem>>
      %dma_start3A_290 = arith.constant 0 : i32
      %dma_start3A_291 = tpu.memref_slice %arg6[%dma_start3A_284, %dma_start3A_290] : memref<64x100xi32, #tpu.memory_space<vmem>> -> memref<1x100xi32, #tpu.memory_space<vmem>>
      %dma_start3A_292 = tpu.memref_squeeze %dma_start3A_291 : memref<1x100xi32, #tpu.memory_space<vmem>> -> memref<100xi32, #tpu.memory_space<vmem>>
      %dma_start3A_293 = arith.constant 0 : i32
      %dma_start3A_294 = arith.constant 0 : i32
      %dma_start3A_295 = tpu.memref_slice %arg3[%dma_start3A_293, %dma_start3A_294] : memref<100000x128xf32, #tpu.memory_space<hbm>> -> memref<100000x128xf32, #tpu.memory_space<hbm>>
      tpu.enqueue_indirect_dma source(%dma_start3A_295 : memref<100000x128xf32, #tpu.memory_space<hbm>>) target(%dma_start3A_289 : memref<100x128xf32, #tpu.memory_space<vmem>>) offsets(%dma_start3A_292 : memref<100xi32, #tpu.memory_space<vmem>>) semaphore(%arg9 : memref<!tpu.dma_semaphore, #tpu.memory_space<semaphore_mem>>)
    } else {
    }
    %scan3A_160 = arith.constant 0 : i32
    %scan3A_161 = arith.constant 0 : i32
    %scan3A_162 = arith.constant 200 : i32
    %scan3A_163 = arith.addi %scan3A_161, %scan3A_162 : i32
    %scan3A_164 = arith.constant 2 : i32
    %scan3A_165 = scf.for %scan3A_251 = %scan3A_161 to %scan3A_163 step %scan3A_164 iter_args(%scan3A_252 = %scan3A_160) -> (i32)  : i32 {
      %get3A = arith.index_cast %scan3A_251 : i32 to index
      %get3A_253 = arith.constant 0 : index
      %get3A_254 = tpu.vector_load %arg8[%get3A, %get3A_253] {strides = array<i32>} : memref<200x128xf32, #tpu.memory_space<vmem>>, vector<1x16xf32>,
      %get3A_255 = vector.shape_cast %get3A_254 : vector<1x16xf32> to vector<16xf32>
      %swap3A = arith.constant 1 : i32
      %swap3A_256 = arith.index_cast %swap3A : i32 to index
      %swap3A_257 = arith.index_cast %scan3A_251 : i32 to index
      %swap3A_258 = arith.constant 0 : index
      %swap3A_259 = tpu.vector_load %arg7[%swap3A_256, %swap3A_257, %swap3A_258] {strides = array<i32>} : memref<3x200x128xf32, #tpu.memory_space<vmem>>, vector<1x1x16xf32>,
      %swap3A_260 = vector.shape_cast %swap3A_259 : vector<1x1x16xf32> to vector<16xf32>
      %swap3A_261 = vector.shape_cast %get3A_255 : vector<16xf32> to vector<1x1x16xf32>
      tpu.vector_store %arg7[%swap3A_256, %swap3A_257, %swap3A_258], %swap3A_261 {add = true, strides = array<i32>} : memref<3x200x128xf32, #tpu.memory_space<vmem>>, vector<1x1x16xf32>,
      %get3A_262 = arith.index_cast %scan3A_251 : i32 to index
      %get3A_263 = arith.constant 16 : index
      %get3A_264 = tpu.vector_load %arg8[%get3A_262, %get3A_263] {strides = array<i32>} : memref<200x128xf32, #tpu.memory_space<vmem>>, vector<1x16xf32>,
      %get3A_265 = vector.shape_cast %get3A_264 : vector<1x16xf32> to vector<16xf32>
      %swap3A_266 = arith.constant 1 : i32
      %swap3A_267 = arith.index_cast %swap3A_266 : i32 to index
      %swap3A_268 = arith.index_cast %scan3A_251 : i32 to index
      %swap3A_269 = arith.constant 16 : index
      %swap3A_270 = tpu.vector_load %arg7[%swap3A_267, %swap3A_268, %swap3A_269] {strides = array<i32>} : memref<3x200x128xf32, #tpu.memory_space<vmem>>, vector<1x1x16xf32>,
      %swap3A_271 = vector.shape_cast %swap3A_270 : vector<1x1x16xf32> to vector<16xf32>
      %swap3A_272 = vector.shape_cast %get3A_265 : vector<16xf32> to vector<1x1x16xf32>
      tpu.vector_store %arg7[%swap3A_267, %swap3A_268, %swap3A_269], %swap3A_272 {add = true, strides = array<i32>} : memref<3x200x128xf32, #tpu.memory_space<vmem>>, vector<1x1x16xf32>,
      %get3A_273 = arith.index_cast %scan3A_251 : i32 to index
      %get3A_274 = arith.constant 32 : index
      %get3A_275 = tpu.vector_load %arg8[%get3A_273, %get3A_274] {strides = array<i32>} : memref<200x128xf32, #tpu.memory_space<vmem>>, vector<1x16xf32>,
      %get3A_276 = vector.shape_cast %get3A_275 : vector<1x16xf32> to vector<16xf32>
      %swap3A_277 = arith.constant 1 : i32
      %swap3A_278 = arith.index_cast %swap3A_277 : i32 to index
      %swap3A_279 = arith.index_cast %scan3A_251 : i32 to index
      %swap3A_280 = arith.constant 32 : index
      %swap3A_281 = tpu.vector_load %arg7[%swap3A_278, %swap3A_279, %swap3A_280] {strides = array<i32>} : memref<3x200x128xf32, #tpu.memory_space<vmem>>, vector<1x1x16xf32>,
      %swap3A_282 = vector.shape_cast %swap3A_281 : vector<1x1x16xf32> to vector<16xf32>
      %swap3A_283 = vector.shape_cast %get3A_276 : vector<16xf32> to vector<1x1x16xf32>
      tpu.vector_store %arg7[%swap3A_278, %swap3A_279, %swap3A_280], %swap3A_283 {add = true, strides = array<i32>} : memref<3x200x128xf32, #tpu.memory_space<vmem>>, vector<1x1x16xf32>,
      %get3A_284 = arith.index_cast %scan3A_251 : i32 to index
      %get3A_285 = arith.constant 48 : index
      %get3A_286 = tpu.vector_load %arg8[%get3A_284, %get3A_285] {strides = array<i32>} : memref<200x128xf32, #tpu.memory_space<vmem>>, vector<1x16xf32>,
      %get3A_287 = vector.shape_cast %get3A_286 : vector<1x16xf32> to vector<16xf32>
      %swap3A_288 = arith.constant 1 : i32
      %swap3A_289 = arith.index_cast %swap3A_288 : i32 to index
      %swap3A_290 = arith.index_cast %scan3A_251 : i32 to index
      %swap3A_291 = arith.constant 48 : index
      %swap3A_292 = tpu.vector_load %arg7[%swap3A_289, %swap3A_290, %swap3A_291] {strides = array<i32>} : memref<3x200x128xf32, #tpu.memory_space<vmem>>, vector<1x1x16xf32>,
      %swap3A_293 = vector.shape_cast %swap3A_292 : vector<1x1x16xf32> to vector<16xf32>
      %swap3A_294 = vector.shape_cast %get3A_287 : vector<16xf32> to vector<1x1x16xf32>
      tpu.vector_store %arg7[%swap3A_289, %swap3A_290, %swap3A_291], %swap3A_294 {add = true, strides = array<i32>} : memref<3x200x128xf32, #tpu.memory_space<vmem>>, vector<1x1x16xf32>,
      %get3A_295 = arith.index_cast %scan3A_251 : i32 to index
      %get3A_296 = arith.constant 64 : index
      %get3A_297 = tpu.vector_load %arg8[%get3A_295, %get3A_296] {strides = array<i32>} : memref<200x128xf32, #tpu.memory_space<vmem>>, vector<1x16xf32>,
      %get3A_298 = vector.shape_cast %get3A_297 : vector<1x16xf32> to vector<16xf32>
      %swap3A_299 = arith.constant 1 : i32
      %swap3A_300 = arith.index_cast %swap3A_299 : i32 to index
      %swap3A_301 = arith.index_cast %scan3A_251 : i32 to index
      %swap3A_302 = arith.constant 64 : index
      %swap3A_303 = tpu.vector_load %arg7[%swap3A_300, %swap3A_301, %swap3A_302] {strides = array<i32>} : memref<3x200x128xf32, #tpu.memory_space<vmem>>, vector<1x1x16xf32>,
      %swap3A_304 = vector.shape_cast %swap3A_303 : vector<1x1x16xf32> to vector<16xf32>
      %swap3A_305 = vector.shape_cast %get3A_298 : vector<16xf32> to vector<1x1x16xf32>
      tpu.vector_store %arg7[%swap3A_300, %swap3A_301, %swap3A_302], %swap3A_305 {add = true, strides = array<i32>} : memref<3x200x128xf32, #tpu.memory_space<vmem>>, vector<1x1x16xf32>,
      %get3A_306 = arith.index_cast %scan3A_251 : i32 to index
      %get3A_307 = arith.constant 80 : index
      %get3A_308 = tpu.vector_load %arg8[%get3A_306, %get3A_307] {strides = array<i32>} : memref<200x128xf32, #tpu.memory_space<vmem>>, vector<1x16xf32>,
      %get3A_309 = vector.shape_cast %get3A_308 : vector<1x16xf32> to vector<16xf32>
      %swap3A_310 = arith.constant 1 : i32
      %swap3A_311 = arith.index_cast %swap3A_310 : i32 to index
      %swap3A_312 = arith.index_cast %scan3A_251 : i32 to index
      %swap3A_313 = arith.constant 80 : index
      %swap3A_314 = tpu.vector_load %arg7[%swap3A_311, %swap3A_312, %swap3A_313] {strides = array<i32>} : memref<3x200x128xf32, #tpu.memory_space<vmem>>, vector<1x1x16xf32>,
      %swap3A_315 = vector.shape_cast %swap3A_314 : vector<1x1x16xf32> to vector<16xf32>
      %swap3A_316 = vector.shape_cast %get3A_309 : vector<16xf32> to vector<1x1x16xf32>
      tpu.vector_store %arg7[%swap3A_311, %swap3A_312, %swap3A_313], %swap3A_316 {add = true, strides = array<i32>} : memref<3x200x128xf32, #tpu.memory_space<vmem>>, vector<1x1x16xf32>,
      %get3A_317 = arith.index_cast %scan3A_251 : i32 to index
      %get3A_318 = arith.constant 96 : index
      %get3A_319 = tpu.vector_load %arg8[%get3A_317, %get3A_318] {strides = array<i32>} : memref<200x128xf32, #tpu.memory_space<vmem>>, vector<1x16xf32>,
      %get3A_320 = vector.shape_cast %get3A_319 : vector<1x16xf32> to vector<16xf32>
      %swap3A_321 = arith.constant 1 : i32
      %swap3A_322 = arith.index_cast %swap3A_321 : i32 to index
      %swap3A_323 = arith.index_cast %scan3A_251 : i32 to index
      %swap3A_324 = arith.constant 96 : index
      %swap3A_325 = tpu.vector_load %arg7[%swap3A_322, %swap3A_323, %swap3A_324] {strides = array<i32>} : memref<3x200x128xf32, #tpu.memory_space<vmem>>, vector<1x1x16xf32>,
      %swap3A_326 = vector.shape_cast %swap3A_325 : vector<1x1x16xf32> to vector<16xf32>
      %swap3A_327 = vector.shape_cast %get3A_320 : vector<16xf32> to vector<1x1x16xf32>
      tpu.vector_store %arg7[%swap3A_322, %swap3A_323, %swap3A_324], %swap3A_327 {add = true, strides = array<i32>} : memref<3x200x128xf32, #tpu.memory_space<vmem>>, vector<1x1x16xf32>,
      %get3A_328 = arith.index_cast %scan3A_251 : i32 to index
      %get3A_329 = arith.constant 112 : index
      %get3A_330 = tpu.vector_load %arg8[%get3A_328, %get3A_329] {strides = array<i32>} : memref<200x128xf32, #tpu.memory_space<vmem>>, vector<1x16xf32>,
      %get3A_331 = vector.shape_cast %get3A_330 : vector<1x16xf32> to vector<16xf32>
      %swap3A_332 = arith.constant 1 : i32
      %swap3A_333 = arith.index_cast %swap3A_332 : i32 to index
      %swap3A_334 = arith.index_cast %scan3A_251 : i32 to index
      %swap3A_335 = arith.constant 112 : index
      %swap3A_336 = tpu.vector_load %arg7[%swap3A_333, %swap3A_334, %swap3A_335] {strides = array<i32>} : memref<3x200x128xf32, #tpu.memory_space<vmem>>, vector<1x1x16xf32>,
      %swap3A_337 = vector.shape_cast %swap3A_336 : vector<1x1x16xf32> to vector<16xf32>
      %swap3A_338 = vector.shape_cast %get3A_331 : vector<16xf32> to vector<1x1x16xf32>
      tpu.vector_store %arg7[%swap3A_333, %swap3A_334, %swap3A_335], %swap3A_338 {add = true, strides = array<i32>} : memref<3x200x128xf32, #tpu.memory_space<vmem>>, vector<1x1x16xf32>,
      %scan3A_339 = arith.constant 0 : i32
      %scan3A_340 = arith.constant 1 : i32
      %scan3A_341 = arith.addi %scan3A_251, %scan3A_340 : i32
      %get3A_342 = arith.index_cast %scan3A_341 : i32 to index
      %get3A_343 = arith.constant 0 : index
      %get3A_344 = tpu.vector_load %arg8[%get3A_342, %get3A_343] {strides = array<i32>} : memref<200x128xf32, #tpu.memory_space<vmem>>, vector<1x16xf32>,
      %get3A_345 = vector.shape_cast %get3A_344 : vector<1x16xf32> to vector<16xf32>
      %swap3A_346 = arith.constant 1 : i32
      %swap3A_347 = arith.index_cast %swap3A_346 : i32 to index
      %swap3A_348 = arith.index_cast %scan3A_341 : i32 to index
      %swap3A_349 = arith.constant 0 : index
      %swap3A_350 = tpu.vector_load %arg7[%swap3A_347, %swap3A_348, %swap3A_349] {strides = array<i32>} : memref<3x200x128xf32, #tpu.memory_space<vmem>>, vector<1x1x16xf32>,
      %swap3A_351 = vector.shape_cast %swap3A_350 : vector<1x1x16xf32> to vector<16xf32>
      %swap3A_352 = vector.shape_cast %get3A_345 : vector<16xf32> to vector<1x1x16xf32>
      tpu.vector_store %arg7[%swap3A_347, %swap3A_348, %swap3A_349], %swap3A_352 {add = true, strides = array<i32>} : memref<3x200x128xf32, #tpu.memory_space<vmem>>, vector<1x1x16xf32>,
      %get3A_353 = arith.index_cast %scan3A_341 : i32 to index
      %get3A_354 = arith.constant 16 : index
      %get3A_355 = tpu.vector_load %arg8[%get3A_353, %get3A_354] {strides = array<i32>} : memref<200x128xf32, #tpu.memory_space<vmem>>, vector<1x16xf32>,
      %get3A_356 = vector.shape_cast %get3A_355 : vector<1x16xf32> to vector<16xf32>
      %swap3A_357 = arith.constant 1 : i32
      %swap3A_358 = arith.index_cast %swap3A_357 : i32 to index
      %swap3A_359 = arith.index_cast %scan3A_341 : i32 to index
      %swap3A_360 = arith.constant 16 : index
      %swap3A_361 = tpu.vector_load %arg7[%swap3A_358, %swap3A_359, %swap3A_360] {strides = array<i32>} : memref<3x200x128xf32, #tpu.memory_space<vmem>>, vector<1x1x16xf32>,
      %swap3A_362 = vector.shape_cast %swap3A_361 : vector<1x1x16xf32> to vector<16xf32>
      %swap3A_363 = vector.shape_cast %get3A_356 : vector<16xf32> to vector<1x1x16xf32>
      tpu.vector_store %arg7[%swap3A_358, %swap3A_359, %swap3A_360], %swap3A_363 {add = true, strides = array<i32>} : memref<3x200x128xf32, #tpu.memory_space<vmem>>, vector<1x1x16xf32>,
      %get3A_364 = arith.index_cast %scan3A_341 : i32 to index
      %get3A_365 = arith.constant 32 : index
      %get3A_366 = tpu.vector_load %arg8[%get3A_364, %get3A_365] {strides = array<i32>} : memref<200x128xf32, #tpu.memory_space<vmem>>, vector<1x16xf32>,
      %get3A_367 = vector.shape_cast %get3A_366 : vector<1x16xf32> to vector<16xf32>
      %swap3A_368 = arith.constant 1 : i32
      %swap3A_369 = arith.index_cast %swap3A_368 : i32 to index
      %swap3A_370 = arith.index_cast %scan3A_341 : i32 to index
      %swap3A_371 = arith.constant 32 : index
      %swap3A_372 = tpu.vector_load %arg7[%swap3A_369, %swap3A_370, %swap3A_371] {strides = array<i32>} : memref<3x200x128xf32, #tpu.memory_space<vmem>>, vector<1x1x16xf32>,
      %swap3A_373 = vector.shape_cast %swap3A_372 : vector<1x1x16xf32> to vector<16xf32>
      %swap3A_374 = vector.shape_cast %get3A_367 : vector<16xf32> to vector<1x1x16xf32>
      tpu.vector_store %arg7[%swap3A_369, %swap3A_370, %swap3A_371], %swap3A_374 {add = true, strides = array<i32>} : memref<3x200x128xf32, #tpu.memory_space<vmem>>, vector<1x1x16xf32>,
      %get3A_375 = arith.index_cast %scan3A_341 : i32 to index
      %get3A_376 = arith.constant 48 : index
      %get3A_377 = tpu.vector_load %arg8[%get3A_375, %get3A_376] {strides = array<i32>} : memref<200x128xf32, #tpu.memory_space<vmem>>, vector<1x16xf32>,
      %get3A_378 = vector.shape_cast %get3A_377 : vector<1x16xf32> to vector<16xf32>
      %swap3A_379 = arith.constant 1 : i32
      %swap3A_380 = arith.index_cast %swap3A_379 : i32 to index
      %swap3A_381 = arith.index_cast %scan3A_341 : i32 to index
      %swap3A_382 = arith.constant 48 : index
      %swap3A_383 = tpu.vector_load %arg7[%swap3A_380, %swap3A_381, %swap3A_382] {strides = array<i32>} : memref<3x200x128xf32, #tpu.memory_space<vmem>>, vector<1x1x16xf32>,
      %swap3A_384 = vector.shape_cast %swap3A_383 : vector<1x1x16xf32> to vector<16xf32>
      %swap3A_385 = vector.shape_cast %get3A_378 : vector<16xf32> to vector<1x1x16xf32>
      tpu.vector_store %arg7[%swap3A_380, %swap3A_381, %swap3A_382], %swap3A_385 {add = true, strides = array<i32>} : memref<3x200x128xf32, #tpu.memory_space<vmem>>, vector<1x1x16xf32>,
      %get3A_386 = arith.index_cast %scan3A_341 : i32 to index
      %get3A_387 = arith.constant 64 : index
      %get3A_388 = tpu.vector_load %arg8[%get3A_386, %get3A_387] {strides = array<i32>} : memref<200x128xf32, #tpu.memory_space<vmem>>, vector<1x16xf32>,
      %get3A_389 = vector.shape_cast %get3A_388 : vector<1x16xf32> to vector<16xf32>
      %swap3A_390 = arith.constant 1 : i32
      %swap3A_391 = arith.index_cast %swap3A_390 : i32 to index
      %swap3A_392 = arith.index_cast %scan3A_341 : i32 to index
      %swap3A_393 = arith.constant 64 : index
      %swap3A_394 = tpu.vector_load %arg7[%swap3A_391, %swap3A_392, %swap3A_393] {strides = array<i32>} : memref<3x200x128xf32, #tpu.memory_space<vmem>>, vector<1x1x16xf32>,
      %swap3A_395 = vector.shape_cast %swap3A_394 : vector<1x1x16xf32> to vector<16xf32>
      %swap3A_396 = vector.shape_cast %get3A_389 : vector<16xf32> to vector<1x1x16xf32>
      tpu.vector_store %arg7[%swap3A_391, %swap3A_392, %swap3A_393], %swap3A_396 {add = true, strides = array<i32>} : memref<3x200x128xf32, #tpu.memory_space<vmem>>, vector<1x1x16xf32>,
      %get3A_397 = arith.index_cast %scan3A_341 : i32 to index
      %get3A_398 = arith.constant 80 : index
      %get3A_399 = tpu.vector_load %arg8[%get3A_397, %get3A_398] {strides = array<i32>} : memref<200x128xf32, #tpu.memory_space<vmem>>, vector<1x16xf32>,
      %get3A_400 = vector.shape_cast %get3A_399 : vector<1x16xf32> to vector<16xf32>
      %swap3A_401 = arith.constant 1 : i32
      %swap3A_402 = arith.index_cast %swap3A_401 : i32 to index
      %swap3A_403 = arith.index_cast %scan3A_341 : i32 to index
      %swap3A_404 = arith.constant 80 : index
      %swap3A_405 = tpu.vector_load %arg7[%swap3A_402, %swap3A_403, %swap3A_404] {strides = array<i32>} : memref<3x200x128xf32, #tpu.memory_space<vmem>>, vector<1x1x16xf32>,
      %swap3A_406 = vector.shape_cast %swap3A_405 : vector<1x1x16xf32> to vector<16xf32>
      %swap3A_407 = vector.shape_cast %get3A_400 : vector<16xf32> to vector<1x1x16xf32>
      tpu.vector_store %arg7[%swap3A_402, %swap3A_403, %swap3A_404], %swap3A_407 {add = true, strides = array<i32>} : memref<3x200x128xf32, #tpu.memory_space<vmem>>, vector<1x1x16xf32>,
      %get3A_408 = arith.index_cast %scan3A_341 : i32 to index
      %get3A_409 = arith.constant 96 : index
      %get3A_410 = tpu.vector_load %arg8[%get3A_408, %get3A_409] {strides = array<i32>} : memref<200x128xf32, #tpu.memory_space<vmem>>, vector<1x16xf32>,
      %get3A_411 = vector.shape_cast %get3A_410 : vector<1x16xf32> to vector<16xf32>
      %swap3A_412 = arith.constant 1 : i32
      %swap3A_413 = arith.index_cast %swap3A_412 : i32 to index
      %swap3A_414 = arith.index_cast %scan3A_341 : i32 to index
      %swap3A_415 = arith.constant 96 : index
      %swap3A_416 = tpu.vector_load %arg7[%swap3A_413, %swap3A_414, %swap3A_415] {strides = array<i32>} : memref<3x200x128xf32, #tpu.memory_space<vmem>>, vector<1x1x16xf32>,
      %swap3A_417 = vector.shape_cast %swap3A_416 : vector<1x1x16xf32> to vector<16xf32>
      %swap3A_418 = vector.shape_cast %get3A_411 : vector<16xf32> to vector<1x1x16xf32>
      tpu.vector_store %arg7[%swap3A_413, %swap3A_414, %swap3A_415], %swap3A_418 {add = true, strides = array<i32>} : memref<3x200x128xf32, #tpu.memory_space<vmem>>, vector<1x1x16xf32>,
      %get3A_419 = arith.index_cast %scan3A_341 : i32 to index
      %get3A_420 = arith.constant 112 : index
      %get3A_421 = tpu.vector_load %arg8[%get3A_419, %get3A_420] {strides = array<i32>} : memref<200x128xf32, #tpu.memory_space<vmem>>, vector<1x16xf32>,
      %get3A_422 = vector.shape_cast %get3A_421 : vector<1x16xf32> to vector<16xf32>
      %swap3A_423 = arith.constant 1 : i32
      %swap3A_424 = arith.index_cast %swap3A_423 : i32 to index
      %swap3A_425 = arith.index_cast %scan3A_341 : i32 to index
      %swap3A_426 = arith.constant 112 : index
      %swap3A_427 = tpu.vector_load %arg7[%swap3A_424, %swap3A_425, %swap3A_426] {strides = array<i32>} : memref<3x200x128xf32, #tpu.memory_space<vmem>>, vector<1x1x16xf32>,
      %swap3A_428 = vector.shape_cast %swap3A_427 : vector<1x1x16xf32> to vector<16xf32>
      %swap3A_429 = vector.shape_cast %get3A_422 : vector<16xf32> to vector<1x1x16xf32>
      tpu.vector_store %arg7[%swap3A_424, %swap3A_425, %swap3A_426], %swap3A_429 {add = true, strides = array<i32>} : memref<3x200x128xf32, #tpu.memory_space<vmem>>, vector<1x1x16xf32>,
      %scan3A_430 = arith.constant 0 : i32
      scf.yield %scan3A_430 : i32
    }
    %scan3A_166 = arith.constant 200 : i32
    %mul3A_167 = arith.constant 32 : i32
    %mul3A_168 = arith.muli %add3A, %mul3A_167 : i32
    %add3A_169 = arith.constant 31 : i32
    %add3A_170 = arith.addi %mul3A_168, %add3A_169 : i32
    %dma_start3A_171 = arith.constant 1 : i32
    %dma_start3A_172 = arith.constant 0 : i32
    %dma_start3A_173 = arith.constant 0 : i32
    %dma_start3A_174 = tpu.memref_slice %arg7[%dma_start3A_171, %dma_start3A_172, %dma_start3A_173] : memref<3x200x128xf32, #tpu.memory_space<vmem>> -> memref<1x200x128xf32, #tpu.memory_space<vmem>>
    %dma_start3A_175 = tpu.memref_squeeze %dma_start3A_174 : memref<1x200x128xf32, #tpu.memory_space<vmem>> -> memref<200x128xf32, #tpu.memory_space<vmem>>
    %dma_start3A_176 = arith.constant 0 : i32
    %dma_start3A_177 = arith.constant 0 : i32
    %dma_start3A_178 = tpu.memref_slice %arg5[%add3A_170, %dma_start3A_176, %dma_start3A_177] : memref<1024x200x128xf32, #tpu.memory_space<hbm>> -> memref<1x200x128xf32, #tpu.memory_space<hbm>>
    %dma_start3A_179 = tpu.memref_squeeze %dma_start3A_178 : memref<1x200x128xf32, #tpu.memory_space<hbm>> -> memref<200x128xf32, #tpu.memory_space<hbm>>
    %dma_start3A_180 = arith.constant 0 : i32
    %dma_start3A_181 = arith.constant 0 : i32
    %dma_start3A_182 = tpu.memref_slice %arg5[%add3A_170, %dma_start3A_180, %dma_start3A_181] : memref<1024x200x128xf32, #tpu.memory_space<hbm>> -> memref<1x200x128xf32, #tpu.memory_space<hbm>>
    %dma_start3A_183 = tpu.memref_squeeze %dma_start3A_182 : memref<1x200x128xf32, #tpu.memory_space<hbm>> -> memref<200x128xf32, #tpu.memory_space<hbm>>
    %dma_start3A_184 = arith.constant 0 : i32
    %dma_start3A_185 = arith.constant 0 : i32
    %dma_start3A_186 = tpu.memref_slice %arg7[%dma_start3A_171, %dma_start3A_184, %dma_start3A_185] : memref<3x200x128xf32, #tpu.memory_space<vmem>> -> memref<1x200x128xf32, #tpu.memory_space<vmem>>
    %dma_start3A_187 = tpu.memref_squeeze %dma_start3A_186 : memref<1x200x128xf32, #tpu.memory_space<vmem>> -> memref<200x128xf32, #tpu.memory_space<vmem>>
    tpu.enqueue_dma source(%dma_start3A_187 : memref<200x128xf32, #tpu.memory_space<vmem>>) target(%dma_start3A_183 : memref<200x128xf32, #tpu.memory_space<hbm>>) target_semaphore(%arg13 : memref<!tpu.dma_semaphore, #tpu.memory_space<semaphore_mem>>)
    %mul3A_188 = arith.constant 32 : i32
    %mul3A_189 = arith.muli %add3A, %mul3A_188 : i32
    %add3A_190 = arith.constant 29 : i32
    %add3A_191 = arith.addi %mul3A_189, %add3A_190 : i32
    %dma_wait3A_192 = arith.constant 2 : i32
    %dma_wait3A_193 = arith.constant 0 : i32
    %dma_wait3A_194 = arith.constant 0 : i32
    %dma_wait3A_195 = tpu.memref_slice %arg7[%dma_wait3A_192, %dma_wait3A_193, %dma_wait3A_194] : memref<3x200x128xf32, #tpu.memory_space<vmem>> -> memref<1x200x128xf32, #tpu.memory_space<vmem>>
    %dma_wait3A_196 = tpu.memref_squeeze %dma_wait3A_195 : memref<1x200x128xf32, #tpu.memory_space<vmem>> -> memref<200x128xf32, #tpu.memory_space<vmem>>
    %dma_wait3A_197 = arith.constant 0 : i32
    %dma_wait3A_198 = arith.constant 0 : i32
    %dma_wait3A_199 = tpu.memref_slice %arg5[%add3A_191, %dma_wait3A_197, %dma_wait3A_198] : memref<1024x200x128xf32, #tpu.memory_space<hbm>> -> memref<1x200x128xf32, #tpu.memory_space<hbm>>
    %dma_wait3A_200 = tpu.memref_squeeze %dma_wait3A_199 : memref<1x200x128xf32, #tpu.memory_space<hbm>> -> memref<200x128xf32, #tpu.memory_space<hbm>>
    %dma_wait3A_201 = arith.constant 0 : i32
    %dma_wait3A_202 = arith.constant 0 : i32
    %dma_wait3A_203 = tpu.memref_slice %arg5[%add3A_191, %dma_wait3A_201, %dma_wait3A_202] : memref<1024x200x128xf32, #tpu.memory_space<hbm>> -> memref<1x200x128xf32, #tpu.memory_space<hbm>>
    %dma_wait3A_204 = tpu.memref_squeeze %dma_wait3A_203 : memref<1x200x128xf32, #tpu.memory_space<hbm>> -> memref<200x128xf32, #tpu.memory_space<hbm>>
    %dma_wait3A_205 = arith.constant 0 : i32
    %dma_wait3A_206 = arith.constant 0 : i32
    %dma_wait3A_207 = tpu.memref_slice %arg7[%dma_wait3A_192, %dma_wait3A_205, %dma_wait3A_206] : memref<3x200x128xf32, #tpu.memory_space<vmem>> -> memref<1x200x128xf32, #tpu.memory_space<vmem>>
    %dma_wait3A_208 = tpu.memref_squeeze %dma_wait3A_207 : memref<1x200x128xf32, #tpu.memory_space<vmem>> -> memref<200x128xf32, #tpu.memory_space<vmem>>
    tpu.wait_dma2 semaphore(%arg14 : memref<!tpu.dma_semaphore, #tpu.memory_space<semaphore_mem>>) src(%dma_wait3A_208 : memref<200x128xf32, #tpu.memory_space<vmem>>) dst(%dma_wait3A_204 : memref<200x128xf32, #tpu.memory_space<hbm>>)
    %mul3A_209 = arith.constant 32 : i32
    %mul3A_210 = arith.muli %add3A, %mul3A_209 : i32
    %add3A_211 = arith.constant 30 : i32
    %add3A_212 = arith.addi %mul3A_210, %add3A_211 : i32
    %dma_wait3A_213 = arith.constant 0 : i32
    %dma_wait3A_214 = arith.constant 0 : i32
    %dma_wait3A_215 = arith.constant 0 : i32
    %dma_wait3A_216 = tpu.memref_slice %arg7[%dma_wait3A_213, %dma_wait3A_214, %dma_wait3A_215] : memref<3x200x128xf32, #tpu.memory_space<vmem>> -> memref<1x200x128xf32, #tpu.memory_space<vmem>>
    %dma_wait3A_217 = tpu.memref_squeeze %dma_wait3A_216 : memref<1x200x128xf32, #tpu.memory_space<vmem>> -> memref<200x128xf32, #tpu.memory_space<vmem>>
    %dma_wait3A_218 = arith.constant 0 : i32
    %dma_wait3A_219 = arith.constant 0 : i32
    %dma_wait3A_220 = tpu.memref_slice %arg5[%add3A_212, %dma_wait3A_218, %dma_wait3A_219] : memref<1024x200x128xf32, #tpu.memory_space<hbm>> -> memref<1x200x128xf32, #tpu.memory_space<hbm>>
    %dma_wait3A_221 = tpu.memref_squeeze %dma_wait3A_220 : memref<1x200x128xf32, #tpu.memory_space<hbm>> -> memref<200x128xf32, #tpu.memory_space<hbm>>
    %dma_wait3A_222 = arith.constant 0 : i32
    %dma_wait3A_223 = arith.constant 0 : i32
    %dma_wait3A_224 = tpu.memref_slice %arg5[%add3A_212, %dma_wait3A_222, %dma_wait3A_223] : memref<1024x200x128xf32, #tpu.memory_space<hbm>> -> memref<1x200x128xf32, #tpu.memory_space<hbm>>
    %dma_wait3A_225 = tpu.memref_squeeze %dma_wait3A_224 : memref<1x200x128xf32, #tpu.memory_space<hbm>> -> memref<200x128xf32, #tpu.memory_space<hbm>>
    %dma_wait3A_226 = arith.constant 0 : i32
    %dma_wait3A_227 = arith.constant 0 : i32
    %dma_wait3A_228 = tpu.memref_slice %arg7[%dma_wait3A_213, %dma_wait3A_226, %dma_wait3A_227] : memref<3x200x128xf32, #tpu.memory_space<vmem>> -> memref<1x200x128xf32, #tpu.memory_space<vmem>>
    %dma_wait3A_229 = tpu.memref_squeeze %dma_wait3A_228 : memref<1x200x128xf32, #tpu.memory_space<vmem>> -> memref<200x128xf32, #tpu.memory_space<vmem>>
    tpu.wait_dma2 semaphore(%arg12 : memref<!tpu.dma_semaphore, #tpu.memory_space<semaphore_mem>>) src(%dma_wait3A_229 : memref<200x128xf32, #tpu.memory_space<vmem>>) dst(%dma_wait3A_225 : memref<200x128xf32, #tpu.memory_space<hbm>>)
    %mul3A_230 = arith.constant 32 : i32
    %mul3A_231 = arith.muli %add3A, %mul3A_230 : i32
    %add3A_232 = arith.constant 31 : i32
    %add3A_233 = arith.addi %mul3A_231, %add3A_232 : i32
    %dma_wait3A_234 = arith.constant 1 : i32
    %dma_wait3A_235 = arith.constant 0 : i32
    %dma_wait3A_236 = arith.constant 0 : i32
    %dma_wait3A_237 = tpu.memref_slice %arg7[%dma_wait3A_234, %dma_wait3A_235, %dma_wait3A_236] : memref<3x200x128xf32, #tpu.memory_space<vmem>> -> memref<1x200x128xf32, #tpu.memory_space<vmem>>
    %dma_wait3A_238 = tpu.memref_squeeze %dma_wait3A_237 : memref<1x200x128xf32, #tpu.memory_space<vmem>> -> memref<200x128xf32, #tpu.memory_space<vmem>>
    %dma_wait3A_239 = arith.constant 0 : i32
    %dma_wait3A_240 = arith.constant 0 : i32
    %dma_wait3A_241 = tpu.memref_slice %arg5[%add3A_233, %dma_wait3A_239, %dma_wait3A_240] : memref<1024x200x128xf32, #tpu.memory_space<hbm>> -> memref<1x200x128xf32, #tpu.memory_space<hbm>>
    %dma_wait3A_242 = tpu.memref_squeeze %dma_wait3A_241 : memref<1x200x128xf32, #tpu.memory_space<hbm>> -> memref<200x128xf32, #tpu.memory_space<hbm>>
    %dma_wait3A_243 = arith.constant 0 : i32
    %dma_wait3A_244 = arith.constant 0 : i32
    %dma_wait3A_245 = tpu.memref_slice %arg5[%add3A_233, %dma_wait3A_243, %dma_wait3A_244] : memref<1024x200x128xf32, #tpu.memory_space<hbm>> -> memref<1x200x128xf32, #tpu.memory_space<hbm>>
    %dma_wait3A_246 = tpu.memref_squeeze %dma_wait3A_245 : memref<1x200x128xf32, #tpu.memory_space<hbm>> -> memref<200x128xf32, #tpu.memory_space<hbm>>
    %dma_wait3A_247 = arith.constant 0 : i32
    %dma_wait3A_248 = arith.constant 0 : i32
    %dma_wait3A_249 = tpu.memref_slice %arg7[%dma_wait3A_234, %dma_wait3A_247, %dma_wait3A_248] : memref<3x200x128xf32, #tpu.memory_space<vmem>> -> memref<1x200x128xf32, #tpu.memory_space<vmem>>
    %dma_wait3A_250 = tpu.memref_squeeze %dma_wait3A_249 : memref<1x200x128xf32, #tpu.memory_space<vmem>> -> memref<200x128xf32, #tpu.memory_space<vmem>>
    tpu.wait_dma2 semaphore(%arg13 : memref<!tpu.dma_semaphore, #tpu.memory_space<semaphore_mem>>) src(%dma_wait3A_250 : memref<200x128xf32, #tpu.memory_space<vmem>>) dst(%dma_wait3A_246 : memref<200x128xf32, #tpu.memory_space<hbm>>)
    return
  }
}

</mosaic_0001>

<sc_bundles>
// kernel: kernel.3.cloned.1.call-start
scs
__scs_entry_jumppad:
0x0: {  	(pc) =	sbr.rel $0x88, $3  }
0x1: {  	(tag) =	ssettag $0x0;
	lr =	simm.s32 $0x1  }
0x2: {  	[smem:$0x3F9F] =	sst lr;
	_ =	strace $0xD0000000  }
0x3: {  	_ = 	snop  }
0x4: {  	_ = 	snop  }
0x5: {  	_ = 	snop  }
0x6: {  	_ = 	snop  }
0x7: {  	_ = 	snop  }
__scs_overlays_trampoline_lowered:
0x8: {  	[smem:$0x3FAE] =	sst s0  }
0x9: {  	[smem:$0x3FAF] =	sst s1  }
0xa: {  	[smem:$0x3FB0] =	sst s2  }
0xb: {  	[smem:$0x3FB1] =	sst s3  }
0xc: {  	[smem:$0x3FB2] =	sst s4  }
0xd: {  	[smem:$0x3FB3] =	sst s5  }
0xe: {  	[smem:$0x3FB4] =	sst s6  }
0xf: {  	[smem:$0x3FB5] =	sst s7  }
0x10: {  	[smem:$0x3FB6] =	sst s8  }
0x11: {  	[smem:$0x3FB7] =	sst s9;
	s0 =	simm.s32 @!p0 $0x0  }
0x12: {  	s1 =	sld [smem:$0x3F9D];
	s0 =	simm.s32 @p0 $0x1  }
0x13: {  	[smem:$0x3FB8] =	sst s0;
	s0 =	simm.s32 @!p1 $0x0  }
0x14: {  	s2 =	sld [smem:$0x3F9C];
	s0 =	simm.s32 @p1 $0x1  }
0x15: {  	[smem:$0x3FB9] =	sst s0;
	s0 =	simm.s32 @!p2 $0x0  }
0x16: {  	s3 =	sld [smem:$0x3FDB];
	s0 =	simm.s32 @p2 $0x1  }
0x17: {  	s4 =	simm.s32 $0x1BF5;
	[smem:$0x3FBB] =	sst s0  }
0x18: {  	s0 =	sld [smem:$0x3F9E];
	_ =	swait.ge [sflag:s4], $0x0  }
0x19: {  	s7 =	sld [smem:$0x3F9F]  }
0x1a: {  	s8 =	sadd.s32 $0xFFFFE003, lr  }
0x1b: {  	s9 =	sadd.s32 $0xFFFFFEF7, lr;
	s5 =	simm.s32 $0xFFFFFFFF;
	p2 =	slt.u32 s8, $0xFFFFF086  }
0x1c: {  	p1 =	slt.u32 s9, $0xF7A;
	s5 =	simm.s32 @!p2 $0x0  }
0x1d: {  	s5 =	simm.s32 @p1 $0x1;
	p0 =	seq.s32 s7, s2  }
0x1e: {  	s7 =	smul.u32 @!p0 $0xF7A, s2;
	p2 =	seq.s32 @!p0 s5, $0x0  }
0x1f: {  	s9 =	smul.u32 $0xF7A, s1;
	s8 =	simm.s32 @!p0 $0x1BF5;
	p2 =	por !p2, p0  }
0x20: {  	[sflag:s8] =	ssyncset.s32 @!p0 $0xFFFFF086;
	s6 =	sadd.s32 @!p0 s3, s7;
	s7 =	simm.s32 @!p0 $0x108  }
0x21: {  	s3 =	sadd.s32 s3, s9;
	s6 =	sadd.s32 @!p0 $0x88, s6;
	s7 =	simm.s32 @p2 $0x1082  }
0x22: {  	[simem:s7], [sflag:s8] =	dma.local @!p0 [hbm:s6], $0xF7A  }
0x23: {  	s9 =	sor.u32 $0xD0000000, s2;
	s6 =	simm.s32 $0x108;
	_ =	swait.ge @!p0 [sflag:s8], $0x0  }
0x24: {  	s3 =	sadd.s32 $0x88, s3;
	s6 =	simm.s32 @!p1 $0x1082;
	[sflag:s4] =	ssyncset.s32 $0xFFFFF086  }
0x25: {  	[simem:s6], [sflag:s4] =	dma.local [hbm:s3], $0xF7A  }
0x26: {  	[smem:$0x3F9F] =	sst s1;
	(tag) =	ssettag s2;
	_ =	strace s9  }
0x27: {  	s1 =	sld [smem:$0x3FAF]  }
0x28: {  	s2 =	sld [smem:$0x3FB0]  }
0x29: {  	s4 =	sld [smem:$0x3FB2]  }
0x2a: {  	p0 =	seq.s32 s5, $0x0;
	s5 =	sld [smem:$0x3FB3]  }
0x2b: {  	s6 =	sld [smem:$0x3FB4]  }
0x2c: {  	s7 =	sld [smem:$0x3FB5]  }
0x2d: {  	s3 =	simm.s32 $0x108;
	s8 =	sld [smem:$0x3FB6]  }
0x2e: {  	s3 =	simm.s32 @!p0 $0x1082;
	s9 =	sld [smem:$0x3FB7]  }
0x2f: {  	lr =	sadd.s32 s0, s3;
	s0 =	sld [smem:$0x3FAE]  }
0x30: {  	s3 =	sld [smem:$0x3FB1]  }
0x31: {  	[smem:$0x3FBA] =	sst s10  }
0x32: {  	s10 =	sld [smem:$0x3FB8];
	_ =	sdelay $0x3  }
0x33: {  	p0 =	seq.s32 s10, $0x1;
	s10 =	sld [smem:$0x3FBA];
	_ =	sdelay $0x3  }
0x34: {  	[smem:$0x3FBA] =	sst s10  }
0x35: {  	s10 =	sld [smem:$0x3FB9];
	_ =	sdelay $0x3  }
0x36: {  	p1 =	seq.s32 s10, $0x1;
	s10 =	sld [smem:$0x3FBA];
	_ =	sdelay $0x3  }
0x37: {  	[smem:$0x3FBA] =	sst s10  }
0x38: {  	s10 =	sld [smem:$0x3FBB]  }
0x39: {  	_ = 	snop;
	(pc) =	sbr.ind lr, $3  }
0x3a: {  	_ = 	snop  }
0x3b: {  	_ = 	snop  }
0x3c: {  	p2 =	seq.s32 s10, $0x1;
	s10 =	sld [smem:$0x3FBA]  }
0x3d: {  	_ =	shalt  }
0x3e: {  	_ =	shalt  }
0x3f: {  	_ =	shalt  }
0x40: {  	_ =	shalt  }
0x41: {  	_ =	shalt  }
0x42: {  	_ =	shalt  }
0x43: {  	_ =	shalt  }
0x44: {  	_ =	shalt  }
0x45: {  	_ =	shalt  }
0x46: {  	_ =	shalt  }
0x47: {  	_ =	shalt  }
0x48: {  	_ =	shalt  }
0x49: {  	_ =	shalt  }
0x4a: {  	_ =	shalt  }
0x4b: {  	_ =	shalt  }
0x4c: {  	_ =	shalt  }
0x4d: {  	_ =	shalt  }
0x4e: {  	_ =	shalt  }
0x4f: {  	_ =	shalt  }
0x50: {  	_ =	shalt  }
0x51: {  	_ =	shalt  }
0x52: {  	_ =	shalt  }
0x53: {  	_ =	shalt  }
0x54: {  	_ =	shalt  }
0x55: {  	_ =	shalt  }
0x56: {  	_ =	shalt  }
0x57: {  	_ =	shalt  }
0x58: {  	_ =	shalt  }
0x59: {  	_ =	shalt  }
0x5a: {  	_ =	shalt  }
0x5b: {  	_ =	shalt  }
0x5c: {  	_ =	shalt  }
0x5d: {  	_ =	shalt  }
0x5e: {  	_ =	shalt  }
0x5f: {  	_ =	shalt  }
0x60: {  	_ =	shalt  }
0x61: {  	_ =	shalt  }
0x62: {  	_ =	shalt  }
0x63: {  	_ =	shalt  }
0x64: {  	_ =	shalt  }
0x65: {  	_ =	shalt  }
0x66: {  	_ =	shalt  }
0x67: {  	_ =	shalt  }
0x68: {  	_ =	shalt  }
0x69: {  	_ =	shalt  }
0x6a: {  	_ =	shalt  }
0x6b: {  	_ =	shalt  }
0x6c: {  	_ =	shalt  }
0x6d: {  	_ =	shalt  }
0x6e: {  	_ =	shalt  }
0x6f: {  	_ =	shalt  }
0x70: {  	_ =	shalt  }
0x71: {  	_ =	shalt  }
0x72: {  	_ =	shalt  }
0x73: {  	_ =	shalt  }
0x74: {  	_ =	shalt  }
0x75: {  	_ =	shalt  }
0x76: {  	_ =	shalt  }
0x77: {  	_ =	shalt  }
0x78: {  	_ =	shalt  }
0x79: {  	_ =	shalt  }
0x7a: {  	_ =	shalt  }
0x7b: {  	_ =	shalt  }
0x7c: {  	_ =	shalt  }
0x7d: {  	_ =	shalt  }
0x7e: {  	_ =	shalt  }
0x7f: {  	_ =	shalt  }
0x80: {  	_ =	shalt  }
0x81: {  	_ =	shalt  }
0x82: {  	_ =	shalt  }
0x83: {  	_ =	shalt  }
0x84: {  	_ =	shalt  }
0x85: {  	_ =	shalt  }
0x86: {  	_ =	shalt  }
0x87: {  	_ =	shalt  }
.Lfunc_end0:
.L_simem_size_0:
called_computation_lowered:
.L_overlay_start_0:
0x88: {  	s2 =	sld [smem:$0x3FD9]  }
0x89: {  	s3 =	sld [smem:$0x3FFE];
	_ =	sdelay $0x1  }
0x8a: {  	s1 =	srdreg.scid  }
0x8b: {  	s0 =	sand.u32 $0x1, s1  }
0x8c: {  	s17 =	sshll.u32 s0, $0xA;
	s2 =	sadd.s32 s3, s2  }
0x8d: {  	s2 =	sadd.s32 s2, s17  }
0x8e: {  	[smem:$0x3FC6] =	sst s2  }
0x8f: {  	_ = 	snop  }
0x90: {  	s2 =	sld [smem:$0x3FC8]  }
0x91: {  	s18 =	sld [smem:$0x3FD0];
	(tm) =	ssettm $0x1  }
0x92: {  	s4 =	sld [smem:$0x3FFB];
	_ =	sdelay $0x3  }
0x93: {  	_ =	strace s4  }
0x94: {  	s4 =	sld [smem:$0x3FFC];
	_ =	sdelay $0x3  }
0x95: {  	_ =	strace s4  }
0x96: {  	s4 =	sld [smem:$0x3FFD];
	_ =	sdelay $0x3  }
0x97: {  	_ =	strace s4  }
0x98: {  	_ =	strace $0x8FFFFFFF  }
0x99: {  	s19 =	sld [smem:$0x3FDB];
	_ =	sdelay $0x1  }
0x9a: {  	s5 =	simm.s32 $_scs_section_size  }
0x9b: {  	s6 =	simm.s32 $_size__tile_overlayer_lowered;
	s7 =	simm.s32 $_tile_overlayer_lowered  }
0x9c: {  	s22 =	simm.s32 $0x1BFF;
	s21 =	sshll.u32 s7, $0x1;
	s4 =	sadd.s32 s5, s19  }
0x9d: {  	s8 =	simm.s32 $0x0;
	s20 =	sshll.u32 s6, $0x1;
	s6 =	sadd.s32 s21, s4  }
0x9e: {  	[timem:s8], [sflag:s22] =	dma.local [hbm:s6], s20  }
0x9f: {  	_ =	swait.ge [sflag:s22], s20  }
0xa0: {  	s5 =	ssub.s32 $0x0, s20;
	[sflag:s22] =	ssyncset.done $0x0  }
0xa1: {  	[sflag:s22] =	ssyncadd.s32 s5;
	_ =	sdelay $0x1  }
0xa2: {  	s23 =	simm.s32 $0x1B8B  }
0xa3: {  	_ =	swait.ge [sflag:s23], $0x1  }
0xa4: {  	[sflag:s23] =	ssyncset.done $0x0  }
0xa5: {  	s25 =	simm.s32 $0x1B8E;
	s24 =	sld [smem:$0x3FFE];
	[sflag:s23] =	ssyncadd.s32 $0xFFFFFFFF  }
0xa6: {  	s26 =	simm.s32 $execute0_lowered;
	[smem:$0x3FD2] =	sst s25  }
0xa7: {  	s6 =	sshll.u32 s26, $0x1;
	_ =	strace $0x80000046;
	[dreg:$0x1] =	wrdreg $0xFFFFFFFF  }
0xa8: {  	s28 =	simm.s32 $_size_execute0_lowered;
	s4 =	sadd.s32 s4, s6;
	[dreg:$0x0] =	wrdreg $0x0  }
0xa9: {  	s6 =	sshll.u32 s28, $0x1;
	[dreg:$0x2] =	wrdreg s4  }
0xaa: {  	[dreg:$0x3] =	wrdreg s6  }
0xab: {  	[dreg:$0x4] =	wrdreg $0xC0  }
0xac: {  	_ =	task [dreg:s8], $0x5FFFF  }
0xad: {  	[dreg:$0x1] =	wrdreg $0xFFFFFFFF  }
0xae: {  	[dreg:$0x0] =	wrdreg $0x60  }
0xaf: {  	[dreg:$0x2] =	wrdreg s24  }
0xb0: {  	[dreg:$0x3] =	wrdreg s2  }
0xb1: {  	[dreg:$0x4] =	wrdreg s18  }
0xb2: {  	[dreg:$0x5] =	wrdreg $0x9  }
0xb3: {  	_ =	task.clear_ibuf [dreg:s8], $0x6FFFF;
	_ =	strace $0x90000046  }
0xb4: {  	s29 =	simm.s32 $0x9;
	_ =	strace $0x80000048  }
0xb5: {  	_ =	swait.ge [sflag:s29], $0x1  }
0xb6: {  	[sflag:s29] =	ssyncadd.s32 $0xFFFFFFFF  }
0xb7: {  	_ =	strace $0x90000048  }
0xb8: {  	_ =	sfence  }
0xb9: {  	s30 =	sld [smem:$0x0];
	_ =	sdelay $0x2  }
0xba: {  	s31 =	sshll.u32 s1, $0xD;
	s1 =	sshrl.u32 s1, $0x2  }
0xbb: {  	s3 =	sand.u32 $0x4000, s31;
	s1 =	sadd.s32 s1, s30  }
0xbc: {  	s0 =	sor.u32 s3, s0;
	s1 =	sshll.u32 s1, $0x11  }
0xbd: {  	s0 =	sor.u32 s1, s0  }
0xbe: {  	s0 =	sadd.s32 $0x8F2B, s0  }
0xbf: {  	[sflag:s0] =	ssyncadd.remote.s32 $0x1  }
0xc0: {  	_ =	sfence.sel $0xFFFF  }
0xc1: {  	[dreg:$0x0] =	wrdreg $0xFFFFFFFF;
	(pc) =	sbr.abs _section_cstart, $3  }
0xc2: {  	[dreg:$0x1] =	wrdreg $0xFFFFFFFF  }
0xc3: {  	_ =	task.clear_ibuf [dreg:s8], $0x2FFFF;
	_ =	strace $0x9FFFFFFF  }
0xc4: {  	(tm) =	ssettm $0x7FFFFFFF  }
0xc5: {  	_ =	shalt  }
tec
execute0_lowered:
.L_overlay_start_1:
0x0: {  	(tag) =	ssettag $0x1  }
0x1: {  	s0 =	rddreg [dreg:$0x0]  }
0x2: {  	s1 =	rddreg [dreg:$0x1]  }
0x3: {  	s3 =	rddreg [dreg:$0x2];
	s4 =	simm.s32 $0x0  }
0x4: {  	s2 =	srdreg.scid;
	s5 =	stileid.u32;
	s12 =	simm.s32 $0x7  }
0x5: {  	s14 =	simm.s32 $0x64;
	s15 =	simm.s32 $0x2000;
	s17 =	simm.s32 $0x5200  }
0x6: {  	s19 =	simm.s32 $0x8400;
	s21 =	simm.s32 $0xB600;
	s23 =	simm.s32 $0xE800  }
0x7: {  	s28 =	simm.s32 $0x2;
	s29 =	simm.s32 $0x4;
	s30 =	simm.s32 $0x3  }
0x8: {  	[smem:$0x7FF] =	sst s4;
	s2 =	sand.u32 $0x1, s2;
	s5 =	sshll.u32 s5, $0x1  }
0x9: {  	s31 =	simm.s32 $0x5;
	_ =	strace $0x80000047;
	s6 =	sor.u32 s2, s5  }
0xa: {  	s2 =	ssub.s32 $0x2, s2;
	s5 =	sshll.u32 s6, $0xA;
	s7 =	smul.u32 $0xC8000, s6  }
0xb: {  	s25 =	sshrl.u32 s2, $0x1;
	s6 =	sshll.u32 s6, $0x5;
	s8 =	sadd.s32 s5, s0  }
0xc: {  	s5 =	sadd.s32 $0x8400, s0;
	s0 =	ssub.s32 s2, s25;
	s26 =	sshrl.u32 s7, $0x3  }
0xd: {  	s7 =	sadd.s32 $0x400, s8;
	s8 =	sor.u32 $0x1, s6;
	s11 =	smax.u32 s0, $0x1  }
0xe: {  	s0 =	simm.s32 $0x6;
	s2 =	sadd.s32 s3, s26;
	s26 =	simm.s32 $0x1  }
0xf: {  	s9 =	sadd.s32 $0x17700, s2;
	s10 =	sadd.s32 $0x18380, s2;
	s2 =	simm.s32 $0x0  }
.LBB2_1:
0x10: {  	[tilespmem:s4], [sflag:$0x7] =	stream.linear.gather [hbm4b:s7+s4], $0x2000, $0x38;
	[tilespmem:$0x1B000] =	vst v63  }
0x11: {  	_ =	swait.ge [sflag:s12], $0x2000  }
0x12: {  	[sflag:s12] =	ssyncset.done $0x0  }
0x13: {  	s13 =	simm.s32 $0x14C00;
	[sflag:s12] =	ssyncadd.s32 $0xFFFFE000  }
0x14: {  	[tilespmem:s13], [sflag:$0x7] =	stream.linear.gather [hbm4b:s5+s4], $0x6400, $0x38;
	[tilespmem:$0x1B000] =	vst v63  }
0x15: {  	_ =	swait.ge [sflag:s12], $0x6400  }
0x16: {  	[sflag:s12] =	ssyncset.done $0x0  }
0x17: {  	[sflag:s12] =	ssyncadd.s32 $0xFFFF9C00  }
0x18: {  	[tilespmem:s15], [sflag:$0x1] =	stream.indirect.gather [hbm4b:s1+s14], $0x80, s4, s14, $0xb8;
	[tilespmem:$0x1B000] =	vst v63  }
0x19: {  	s18 =	simm.s32 $0x80  }
0x1a: {  	[tilespmem:s17], [sflag:$0x1] =	stream.indirect.gather [hbm4b:s1+s14], $0x80, s18, s14, $0xb8;
	[tilespmem:$0x1B000] =	vst v63  }
0x1b: {  	s20 =	simm.s32 $0x100  }
0x1c: {  	[tilespmem:s19], [sflag:$0x2] =	stream.indirect.gather [hbm4b:s1+s14], $0x80, s20, s14, $0xb8;
	[tilespmem:$0x1B000] =	vst v63  }
0x1d: {  	s22 =	simm.s32 $0x180  }
0x1e: {  	[tilespmem:s21], [sflag:$0x2] =	stream.indirect.gather [hbm4b:s1+s14], $0x80, s22, s14, $0xb8;
	[tilespmem:$0x1B000] =	vst v63  }
0x1f: {  	s24 =	simm.s32 $0x200  }
0x20: {  	[tilespmem:s23], [sflag:$0x3] =	stream.indirect.gather [hbm4b:s1+s14], $0x80, s24, s14, $0xb8;
	[tilespmem:$0x1B000] =	vst v63  }
0x21: {  	s25 =	simm.s32 $0x280;
	s16 =	simm.s32 $0x11A00;
	s13 =	simm.s32 $0x0  }
0x22: {  	[tilespmem:s16], [sflag:$0x3] =	stream.indirect.gather [hbm4b:s1+s14], $0x80, s25, s14, $0xb8;
	[tilespmem:$0x1B000] =	vst v63  }
.LBB2_2:
0x23: {  	_ =	swait.ge [sflag:s26], $0x3200  }
0x24: {  	s18 =	smul.u32 $0x3, s13;
	[sflag:s26] =	ssyncset.done $0x0  }
0x25: {  	[sflag:s26] =	ssyncadd.s32 $0xFFFFCE00  }
0x26: {  	s16 =	sadd.s32 $0xFFFFFFFF, s18;
	_ =	swait.ge [sflag:s26], $0x3200  }
0x27: {  	p0 =	sgt.u32 s16, $0x1C;
	[sflag:s26] =	ssyncset.done $0x0  }
0x28: {  	s20 =	simm.s32 @!p0 $0x6;
	[sflag:s26] =	ssyncadd.s32 $0xFFFFCE00  }
0x29: {  	_ =	swait.ge @!p0 [sflag:s20], $0x6400  }
0x2a: {  	s16 =	sadd.s32 $0x2, s18;
	[sflag:s20] =	ssyncset.done @!p0 $0x0  }
0x2b: {  	[sflag:s20] =	ssyncadd.s32 @!p0 $0xFFFF9C00;
	s20 =	sshll.u32 @!p0 s16, $0x8  }
0x2c: {  	s22 =	simm.s32 @!p0 $0x64;
	s24 =	simm.s32 @!p0 $0xE800;
	s20 =	sand.u32 @!p0 $0x3FFFFF00, s20  }
0x2d: {  	[tilespmem:s24], [sflag:$0x3] =	stream.indirect.gather @!p0 [hbm4b:s1+s22], $0x80, s20, s22, $0xb8;
	[tilespmem:$0x1B000] =	vst v63  }
0x2e: {  	s20 =	sor.u32 @!p0 $0x80, s20;
	s24 =	simm.s32 @!p0 $0x11A00  }
0x2f: {  	[tilespmem:s24], [sflag:$0x3] =	stream.indirect.gather @!p0 [hbm4b:s1+s22], $0x80, s20, s22, $0xb8;
	[tilespmem:$0x1B000] =	vst v63  }
0x30: {  	s20 =	simm.s32 $0x0  }
0x31: {  	v0 =	vld [tilespmem:s20+$0x14CF0]  }
0x32: {  	v1 =	vld [tilespmem:s20+$0x14C00]  }
0x33: {  	v2 =	vld [tilespmem:s20+$0x14C10]  }
0x34: {  	v3 =	vld [tilespmem:s20+$0x14C20]  }
0x35: {  	v4 =	vld [tilespmem:s20+$0x14C30]  }
0x36: {  	v5 =	vld [tilespmem:s20+$0x14C40]  }
0x37: {  	v6 =	vld [tilespmem:s20+$0x14C50]  }
0x38: {  	v7 =	vld [tilespmem:s20+$0x14C60]  }
0x39: {  	v8 =	vld [tilespmem:s20+$0x14C70]  }
0x3a: {  	v9 =	vld [tilespmem:s20+$0x14C80]  }
0x3b: {  	v10 =	vld [tilespmem:s20+$0x14C90]  }
0x3c: {  	v11 =	vld [tilespmem:s20+$0x14CA0]  }
0x3d: {  	v12 =	vld [tilespmem:s20+$0x14CB0]  }
0x3e: {  	v13 =	vld [tilespmem:s20+$0x14CC0]  }
0x3f: {  	v14 =	vld [tilespmem:s20+$0x14CD0]  }
0x40: {  	[tilespmem:s20+$0x20F0] =	vst.add.f32.msk $0xffff, v0  }
0x41: {  	v0 =	vld [tilespmem:s20+$0x14CE0]  }
0x42: {  	[tilespmem:s20+$0x2000] =	vst.add.f32.msk $0xffff, v1  }
0x43: {  	[tilespmem:s20+$0x2010] =	vst.add.f32.msk $0xffff, v2  }
0x44: {  	[tilespmem:s20+$0x2020] =	vst.add.f32.msk $0xffff, v3  }
0x45: {  	[tilespmem:s20+$0x2030] =	vst.add.f32.msk $0xffff, v4  }
0x46: {  	[tilespmem:s20+$0x2040] =	vst.add.f32.msk $0xffff, v5  }
0x47: {  	[tilespmem:s20+$0x2050] =	vst.add.f32.msk $0xffff, v6  }
0x48: {  	[tilespmem:s20+$0x2060] =	vst.add.f32.msk $0xffff, v7  }
0x49: {  	[tilespmem:s20+$0x2070] =	vst.add.f32.msk $0xffff, v8  }
0x4a: {  	[tilespmem:s20+$0x2080] =	vst.add.f32.msk $0xffff, v9  }
0x4b: {  	[tilespmem:s20+$0x2090] =	vst.add.f32.msk $0xffff, v10  }
0x4c: {  	[tilespmem:s20+$0x20A0] =	vst.add.f32.msk $0xffff, v11  }
0x4d: {  	[tilespmem:s20+$0x20B0] =	vst.add.f32.msk $0xffff, v12  }
0x4e: {  	[tilespmem:s20+$0x20C0] =	vst.add.f32.msk $0xffff, v13  }
0x4f: {  	s22 =	simm.s32 $0x0;
	s24 =	simm.s32 $0x400;
	[tilespmem:s20+$0x20D0] =	vst.add.f32.msk $0xffff, v14  }
.LBB2_3:
0x50: {  	s22 =	sadd.s32 $0x2, s22;
	[tilespmem:s20+$0x20E0] =	vst.add.f32.msk $0xffff, v0;
	s20 =	sshra.s32 s24, $0x2  }
0x51: {  	v0 =	vld [tilespmem:s20+$0x14CF0];
	p0 =	slt.u32 s22, $0xC6  }
0x52: {  	v1 =	vld [tilespmem:s20+$0x14C00]  }
0x53: {  	v2 =	vld [tilespmem:s20+$0x14C10]  }
0x54: {  	v3 =	vld [tilespmem:s20+$0x14C20]  }
0x55: {  	v4 =	vld [tilespmem:s20+$0x14C30]  }
0x56: {  	[tilespmem:s20+$0x20F0] =	vst.add.f32.msk $0xffff, v0  }
0x57: {  	v5 =	vld [tilespmem:s20+$0x14C40]  }
0x58: {  	v6 =	vld [tilespmem:s20+$0x14C50]  }
0x59: {  	v7 =	vld [tilespmem:s20+$0x14C60]  }
0x5a: {  	v8 =	vld [tilespmem:s20+$0x14C70]  }
0x5b: {  	v9 =	vld [tilespmem:s20+$0x14C80]  }
0x5c: {  	v10 =	vld [tilespmem:s20+$0x14C90]  }
0x5d: {  	v11 =	vld [tilespmem:s20+$0x14CA0]  }
0x5e: {  	v12 =	vld [tilespmem:s20+$0x14CB0]  }
0x5f: {  	v13 =	vld [tilespmem:s20+$0x14CC0]  }
0x60: {  	v14 =	vld [tilespmem:s20+$0x14CD0]  }
0x61: {  	v0 =	vld [tilespmem:s20+$0x14CE0]  }
0x62: {  	[tilespmem:s20+$0x2000] =	vst.add.f32.msk $0xffff, v1  }
0x63: {  	[tilespmem:s20+$0x2010] =	vst.add.f32.msk $0xffff, v2  }
0x64: {  	[tilespmem:s20+$0x2020] =	vst.add.f32.msk $0xffff, v3  }
0x65: {  	[tilespmem:s20+$0x2030] =	vst.add.f32.msk $0xffff, v4  }
0x66: {  	[tilespmem:s20+$0x2040] =	vst.add.f32.msk $0xffff, v5  }
0x67: {  	[tilespmem:s20+$0x2050] =	vst.add.f32.msk $0xffff, v6  }
0x68: {  	[tilespmem:s20+$0x2060] =	vst.add.f32.msk $0xffff, v7  }
0x69: {  	[tilespmem:s20+$0x2070] =	vst.add.f32.msk $0xffff, v8  }
0x6a: {  	[tilespmem:s20+$0x2080] =	vst.add.f32.msk $0xffff, v9  }
.Ltmp0:
0x6b: {  	[tilespmem:s20+$0x2090] =	vst.add.f32.msk $0xffff, v10;
	(pc) =	sbr.rel @p0 .LBB2_3-.Ltmp0, $4  }
0x6c: {  	[tilespmem:s20+$0x20A0] =	vst.add.f32.msk $0xffff, v11  }
0x6d: {  	[tilespmem:s20+$0x20B0] =	vst.add.f32.msk $0xffff, v12  }
0x6e: {  	[tilespmem:s20+$0x20C0] =	vst.add.f32.msk $0xffff, v13  }
0x6f: {  	s24 =	sadd.s32 $0x400, s24;
	[tilespmem:s20+$0x20D0] =	vst.add.f32.msk $0xffff, v14  }
0x70: {  	s22 =	sadd.s32 s6, s18  }
0x71: {  	s22 =	smul.u32 $0xC80, s22;
	_ =	sdelay $0x1  }
0x72: {  	[tilespmem:s20+$0x20E0] =	vst.add.f32.msk $0xffff, v0;
	s25 =	simm.s32 $0x0;
	s24 =	sadd.s32 s3, s22  }
0x73: {  	[hbm4b:s24+s25] =	stream.linear.scatter [tilespmem:s15], [sflag:$0x4], $0x6400, $0x38;
	[tilespmem:$0x1B000] =	vst v63  }
0x74: {  	_ =	swait.ge [sflag:s28], $0x3200  }
0x75: {  	[sflag:s28] =	ssyncset.done $0x0  }
0x76: {  	[sflag:s28] =	ssyncadd.s32 $0xFFFFCE00  }
0x77: {  	_ =	swait.ge [sflag:s28], $0x3200  }
0x78: {  	[sflag:s28] =	ssyncset.done $0x0  }
0x79: {  	s22 =	smul.u32 $0xC00, s13;
	[sflag:s28] =	ssyncadd.s32 $0xFFFFCE00  }
0x7a: {  	_ =	swait.ge [sflag:s29], $0x6400  }
0x7b: {  	s20 =	sshra.s32 s22, $0x2;
	[sflag:s29] =	ssyncset.done $0x0  }
0x7c: {  	s24 =	sadd.s32 $0x300, s20;
	[sflag:s29] =	ssyncadd.s32 $0xFFFF9C00  }
0x7d: {  	[tilespmem:s15], [sflag:$0x1] =	stream.indirect.gather [hbm4b:s1+s14], $0x80, s24, s14, $0xb8;
	[tilespmem:$0x1B000] =	vst v63  }
0x7e: {  	s22 =	simm.s32 $0x0;
	s25 =	sadd.s32 $0x380, s20  }
0x7f: {  	[tilespmem:s17], [sflag:$0x1] =	stream.indirect.gather [hbm4b:s1+s14], $0x80, s25, s14, $0xb8;
	[tilespmem:$0x1B000] =	vst v63  }
0x80: {  	v0 =	vld [tilespmem:s22+$0x14CF0]  }
0x81: {  	v1 =	vld [tilespmem:s22+$0x14C00]  }
0x82: {  	v2 =	vld [tilespmem:s22+$0x14C10]  }
0x83: {  	v3 =	vld [tilespmem:s22+$0x14C20]  }
0x84: {  	v4 =	vld [tilespmem:s22+$0x14C30]  }
0x85: {  	v5 =	vld [tilespmem:s22+$0x14C40]  }
0x86: {  	v6 =	vld [tilespmem:s22+$0x14C50]  }
0x87: {  	v7 =	vld [tilespmem:s22+$0x14C60]  }
0x88: {  	v8 =	vld [tilespmem:s22+$0x14C70]  }
0x89: {  	v9 =	vld [tilespmem:s22+$0x14C80]  }
0x8a: {  	v10 =	vld [tilespmem:s22+$0x14C90]  }
0x8b: {  	v11 =	vld [tilespmem:s22+$0x14CA0]  }
0x8c: {  	v12 =	vld [tilespmem:s22+$0x14CB0]  }
0x8d: {  	v13 =	vld [tilespmem:s22+$0x14CC0]  }
0x8e: {  	v14 =	vld [tilespmem:s22+$0x14CD0]  }
0x8f: {  	[tilespmem:s22+$0x84F0] =	vst.add.f32.msk $0xffff, v0  }
0x90: {  	v0 =	vld [tilespmem:s22+$0x14CE0]  }
0x91: {  	[tilespmem:s22+$0x8400] =	vst.add.f32.msk $0xffff, v1  }
0x92: {  	[tilespmem:s22+$0x8410] =	vst.add.f32.msk $0xffff, v2  }
0x93: {  	[tilespmem:s22+$0x8420] =	vst.add.f32.msk $0xffff, v3  }
0x94: {  	[tilespmem:s22+$0x8430] =	vst.add.f32.msk $0xffff, v4  }
0x95: {  	[tilespmem:s22+$0x8440] =	vst.add.f32.msk $0xffff, v5  }
0x96: {  	[tilespmem:s22+$0x8450] =	vst.add.f32.msk $0xffff, v6  }
0x97: {  	[tilespmem:s22+$0x8460] =	vst.add.f32.msk $0xffff, v7  }
0x98: {  	[tilespmem:s22+$0x8470] =	vst.add.f32.msk $0xffff, v8  }
0x99: {  	[tilespmem:s22+$0x8480] =	vst.add.f32.msk $0xffff, v9  }
0x9a: {  	[tilespmem:s22+$0x8490] =	vst.add.f32.msk $0xffff, v10  }
0x9b: {  	[tilespmem:s22+$0x84A0] =	vst.add.f32.msk $0xffff, v11  }
0x9c: {  	[tilespmem:s22+$0x84B0] =	vst.add.f32.msk $0xffff, v12  }
0x9d: {  	[tilespmem:s22+$0x84C0] =	vst.add.f32.msk $0xffff, v13  }
0x9e: {  	s24 =	simm.s32 $0x0;
	s25 =	simm.s32 $0x400;
	[tilespmem:s22+$0x84D0] =	vst.add.f32.msk $0xffff, v14  }
.LBB2_5:
0x9f: {  	s24 =	sadd.s32 $0x2, s24;
	[tilespmem:s22+$0x84E0] =	vst.add.f32.msk $0xffff, v0;
	s22 =	sshra.s32 s25, $0x2  }
0xa0: {  	v0 =	vld [tilespmem:s22+$0x14CF0];
	p0 =	slt.u32 s24, $0xC6  }
0xa1: {  	v1 =	vld [tilespmem:s22+$0x14C00]  }
0xa2: {  	v2 =	vld [tilespmem:s22+$0x14C10]  }
0xa3: {  	v3 =	vld [tilespmem:s22+$0x14C20]  }
0xa4: {  	v4 =	vld [tilespmem:s22+$0x14C30]  }
0xa5: {  	[tilespmem:s22+$0x84F0] =	vst.add.f32.msk $0xffff, v0  }
0xa6: {  	v5 =	vld [tilespmem:s22+$0x14C40]  }
0xa7: {  	v6 =	vld [tilespmem:s22+$0x14C50]  }
0xa8: {  	v7 =	vld [tilespmem:s22+$0x14C60]  }
0xa9: {  	v8 =	vld [tilespmem:s22+$0x14C70]  }
0xaa: {  	v9 =	vld [tilespmem:s22+$0x14C80]  }
0xab: {  	v10 =	vld [tilespmem:s22+$0x14C90]  }
0xac: {  	v11 =	vld [tilespmem:s22+$0x14CA0]  }
0xad: {  	v12 =	vld [tilespmem:s22+$0x14CB0]  }
0xae: {  	v13 =	vld [tilespmem:s22+$0x14CC0]  }
0xaf: {  	v14 =	vld [tilespmem:s22+$0x14CD0]  }
0xb0: {  	v0 =	vld [tilespmem:s22+$0x14CE0]  }
0xb1: {  	[tilespmem:s22+$0x8400] =	vst.add.f32.msk $0xffff, v1  }
0xb2: {  	[tilespmem:s22+$0x8410] =	vst.add.f32.msk $0xffff, v2  }
0xb3: {  	[tilespmem:s22+$0x8420] =	vst.add.f32.msk $0xffff, v3  }
0xb4: {  	[tilespmem:s22+$0x8430] =	vst.add.f32.msk $0xffff, v4  }
0xb5: {  	[tilespmem:s22+$0x8440] =	vst.add.f32.msk $0xffff, v5  }
0xb6: {  	[tilespmem:s22+$0x8450] =	vst.add.f32.msk $0xffff, v6  }
0xb7: {  	[tilespmem:s22+$0x8460] =	vst.add.f32.msk $0xffff, v7  }
0xb8: {  	[tilespmem:s22+$0x8470] =	vst.add.f32.msk $0xffff, v8  }
0xb9: {  	[tilespmem:s22+$0x8480] =	vst.add.f32.msk $0xffff, v9  }
.Ltmp1:
0xba: {  	[tilespmem:s22+$0x8490] =	vst.add.f32.msk $0xffff, v10;
	(pc) =	sbr.rel @p0 .LBB2_5-.Ltmp1, $4  }
0xbb: {  	[tilespmem:s22+$0x84A0] =	vst.add.f32.msk $0xffff, v11  }
0xbc: {  	[tilespmem:s22+$0x84B0] =	vst.add.f32.msk $0xffff, v12  }
0xbd: {  	[tilespmem:s22+$0x84C0] =	vst.add.f32.msk $0xffff, v13  }
0xbe: {  	s25 =	sadd.s32 $0x400, s25;
	[tilespmem:s22+$0x84D0] =	vst.add.f32.msk $0xffff, v14  }
0xbf: {  	s18 =	sadd.s32 s18, s8  }
0xc0: {  	s18 =	smul.u32 $0xC80, s18;
	_ =	sdelay $0x1  }
0xc1: {  	[tilespmem:s22+$0x84E0] =	vst.add.f32.msk $0xffff, v0;
	s25 =	simm.s32 $0x0;
	s18 =	sadd.s32 s3, s18  }
0xc2: {  	[hbm4b:s18+s25] =	stream.linear.scatter [tilespmem:s19], [sflag:$0x5], $0x6400, $0x38;
	[tilespmem:$0x1B000] =	vst v63  }
0xc3: {  	_ =	swait.ge [sflag:s30], $0x3200  }
0xc4: {  	[sflag:s30] =	ssyncset.done $0x0  }
0xc5: {  	[sflag:s30] =	ssyncadd.s32 $0xFFFFCE00  }
0xc6: {  	_ =	swait.ge [sflag:s30], $0x3200  }
0xc7: {  	[sflag:s30] =	ssyncset.done $0x0  }
0xc8: {  	[sflag:s30] =	ssyncadd.s32 $0xFFFFCE00  }
0xc9: {  	_ =	swait.ge [sflag:s31], $0x6400  }
0xca: {  	[sflag:s31] =	ssyncset.done $0x0  }
0xcb: {  	s24 =	sadd.s32 $0x400, s20;
	[sflag:s31] =	ssyncadd.s32 $0xFFFF9C00  }
0xcc: {  	[tilespmem:s19], [sflag:$0x2] =	stream.indirect.gather [hbm4b:s1+s14], $0x80, s24, s14, $0xb8;
	[tilespmem:$0x1B000] =	vst v63  }
0xcd: {  	s25 =	sadd.s32 $0x480, s20;
	s18 =	simm.s32 $0x0  }
0xce: {  	[tilespmem:s21], [sflag:$0x2] =	stream.indirect.gather [hbm4b:s1+s14], $0x80, s25, s14, $0xb8;
	[tilespmem:$0x1B000] =	vst v63  }
0xcf: {  	v0 =	vld [tilespmem:s18+$0x14CF0]  }
0xd0: {  	v1 =	vld [tilespmem:s18+$0x14C00]  }
0xd1: {  	v2 =	vld [tilespmem:s18+$0x14C10]  }
0xd2: {  	v3 =	vld [tilespmem:s18+$0x14C20]  }
0xd3: {  	v4 =	vld [tilespmem:s18+$0x14C30]  }
0xd4: {  	v5 =	vld [tilespmem:s18+$0x14C40]  }
0xd5: {  	v6 =	vld [tilespmem:s18+$0x14C50]  }
0xd6: {  	v7 =	vld [tilespmem:s18+$0x14C60]  }
0xd7: {  	v8 =	vld [tilespmem:s18+$0x14C70]  }
0xd8: {  	v9 =	vld [tilespmem:s18+$0x14C80]  }
0xd9: {  	v10 =	vld [tilespmem:s18+$0x14C90]  }
0xda: {  	v11 =	vld [tilespmem:s18+$0x14CA0]  }
0xdb: {  	v12 =	vld [tilespmem:s18+$0x14CB0]  }
0xdc: {  	v13 =	vld [tilespmem:s18+$0x14CC0]  }
0xdd: {  	v14 =	vld [tilespmem:s18+$0x14CD0]  }
0xde: {  	[tilespmem:s18+$0xE8F0] =	vst.add.f32.msk $0xffff, v0  }
0xdf: {  	v0 =	vld [tilespmem:s18+$0x14CE0]  }
0xe0: {  	[tilespmem:s18+$0xE800] =	vst.add.f32.msk $0xffff, v1  }
0xe1: {  	[tilespmem:s18+$0xE810] =	vst.add.f32.msk $0xffff, v2  }
0xe2: {  	[tilespmem:s18+$0xE820] =	vst.add.f32.msk $0xffff, v3  }
0xe3: {  	[tilespmem:s18+$0xE830] =	vst.add.f32.msk $0xffff, v4  }
0xe4: {  	[tilespmem:s18+$0xE840] =	vst.add.f32.msk $0xffff, v5  }
0xe5: {  	[tilespmem:s18+$0xE850] =	vst.add.f32.msk $0xffff, v6  }
0xe6: {  	[tilespmem:s18+$0xE860] =	vst.add.f32.msk $0xffff, v7  }
0xe7: {  	[tilespmem:s18+$0xE870] =	vst.add.f32.msk $0xffff, v8  }
0xe8: {  	[tilespmem:s18+$0xE880] =	vst.add.f32.msk $0xffff, v9  }
0xe9: {  	[tilespmem:s18+$0xE890] =	vst.add.f32.msk $0xffff, v10  }
0xea: {  	[tilespmem:s18+$0xE8A0] =	vst.add.f32.msk $0xffff, v11  }
0xeb: {  	[tilespmem:s18+$0xE8B0] =	vst.add.f32.msk $0xffff, v12  }
0xec: {  	[tilespmem:s18+$0xE8C0] =	vst.add.f32.msk $0xffff, v13  }
0xed: {  	s22 =	simm.s32 $0x400;
	s20 =	simm.s32 $0x0;
	[tilespmem:s18+$0xE8D0] =	vst.add.f32.msk $0xffff, v14  }
.LBB2_7:
0xee: {  	s20 =	sadd.s32 $0x2, s20;
	[tilespmem:s18+$0xE8E0] =	vst.add.f32.msk $0xffff, v0;
	s18 =	sshra.s32 s22, $0x2  }
0xef: {  	v0 =	vld [tilespmem:s18+$0x14CF0];
	p0 =	slt.u32 s20, $0xC6  }
0xf0: {  	v1 =	vld [tilespmem:s18+$0x14C00]  }
0xf1: {  	v2 =	vld [tilespmem:s18+$0x14C10]  }
0xf2: {  	v3 =	vld [tilespmem:s18+$0x14C20]  }
0xf3: {  	v4 =	vld [tilespmem:s18+$0x14C30]  }
0xf4: {  	[tilespmem:s18+$0xE8F0] =	vst.add.f32.msk $0xffff, v0  }
0xf5: {  	v5 =	vld [tilespmem:s18+$0x14C40]  }
0xf6: {  	v6 =	vld [tilespmem:s18+$0x14C50]  }
0xf7: {  	v7 =	vld [tilespmem:s18+$0x14C60]  }
0xf8: {  	v8 =	vld [tilespmem:s18+$0x14C70]  }
0xf9: {  	v9 =	vld [tilespmem:s18+$0x14C80]  }
0xfa: {  	v10 =	vld [tilespmem:s18+$0x14C90]  }
0xfb: {  	v11 =	vld [tilespmem:s18+$0x14CA0]  }
0xfc: {  	v12 =	vld [tilespmem:s18+$0x14CB0]  }
0xfd: {  	v13 =	vld [tilespmem:s18+$0x14CC0]  }
0xfe: {  	v14 =	vld [tilespmem:s18+$0x14CD0]  }
0xff: {  	v0 =	vld [tilespmem:s18+$0x14CE0]  }
0x100: {  	[tilespmem:s18+$0xE800] =	vst.add.f32.msk $0xffff, v1  }
0x101: {  	[tilespmem:s18+$0xE810] =	vst.add.f32.msk $0xffff, v2  }
0x102: {  	[tilespmem:s18+$0xE820] =	vst.add.f32.msk $0xffff, v3  }
0x103: {  	[tilespmem:s18+$0xE830] =	vst.add.f32.msk $0xffff, v4  }
0x104: {  	[tilespmem:s18+$0xE840] =	vst.add.f32.msk $0xffff, v5  }
0x105: {  	[tilespmem:s18+$0xE850] =	vst.add.f32.msk $0xffff, v6  }
0x106: {  	[tilespmem:s18+$0xE860] =	vst.add.f32.msk $0xffff, v7  }
0x107: {  	[tilespmem:s18+$0xE870] =	vst.add.f32.msk $0xffff, v8  }
0x108: {  	[tilespmem:s18+$0xE880] =	vst.add.f32.msk $0xffff, v9  }
.Ltmp2:
0x109: {  	[tilespmem:s18+$0xE890] =	vst.add.f32.msk $0xffff, v10;
	(pc) =	sbr.rel @p0 .LBB2_7-.Ltmp2, $4  }
0x10a: {  	[tilespmem:s18+$0xE8A0] =	vst.add.f32.msk $0xffff, v11  }
0x10b: {  	[tilespmem:s18+$0xE8B0] =	vst.add.f32.msk $0xffff, v12  }
0x10c: {  	[tilespmem:s18+$0xE8C0] =	vst.add.f32.msk $0xffff, v13  }
0x10d: {  	s22 =	sadd.s32 $0x400, s22;
	[tilespmem:s18+$0xE8D0] =	vst.add.f32.msk $0xffff, v14  }
0x10e: {  	s13 =	sadd.s32 $0x1, s13  }
0x10f: {  	p0 =	sne.s32 s13, $0xA  }
.Ltmp3:
0x110: {  	s16 =	sadd.s32 s6, s16;
	(pc) =	sbr.rel @p0 .LBB2_2-.Ltmp3, $3  }
0x111: {  	s16 =	smul.u32 $0xC80, s16;
	_ =	sdelay $0x1  }
0x112: {  	[tilespmem:s18+$0xE8E0] =	vst.add.f32.msk $0xffff, v0;
	s16 =	sadd.s32 s3, s16  }
0x113: {  	[hbm4b:s16+s4] =	stream.linear.scatter [tilespmem:s23], [sflag:$0x6], $0x6400, $0x38;
	[tilespmem:$0x1B000] =	vst v63  }
0x114: {  	_ =	swait.ge [sflag:s26], $0x3200  }
0x115: {  	[sflag:s26] =	ssyncset.done $0x0  }
0x116: {  	[sflag:s26] =	ssyncadd.s32 $0xFFFFCE00  }
0x117: {  	_ =	swait.ge [sflag:s26], $0x3200  }
0x118: {  	[sflag:s26] =	ssyncset.done $0x0  }
0x119: {  	s13 =	simm.s32 $0x0;
	[sflag:s26] =	ssyncadd.s32 $0xFFFFCE00  }
0x11a: {  	v0 =	vld [tilespmem:s13+$0x14CF0]  }
0x11b: {  	v1 =	vld [tilespmem:s13+$0x14C00]  }
0x11c: {  	v2 =	vld [tilespmem:s13+$0x14C10]  }
0x11d: {  	v3 =	vld [tilespmem:s13+$0x14C20]  }
0x11e: {  	v4 =	vld [tilespmem:s13+$0x14C30]  }
0x11f: {  	v5 =	vld [tilespmem:s13+$0x14C40]  }
0x120: {  	v6 =	vld [tilespmem:s13+$0x14C50]  }
0x121: {  	v7 =	vld [tilespmem:s13+$0x14C60]  }
0x122: {  	v8 =	vld [tilespmem:s13+$0x14C70]  }
0x123: {  	v9 =	vld [tilespmem:s13+$0x14C80]  }
0x124: {  	v10 =	vld [tilespmem:s13+$0x14C90]  }
0x125: {  	v11 =	vld [tilespmem:s13+$0x14CA0]  }
0x126: {  	v12 =	vld [tilespmem:s13+$0x14CB0]  }
0x127: {  	v13 =	vld [tilespmem:s13+$0x14CC0]  }
0x128: {  	v14 =	vld [tilespmem:s13+$0x14CD0]  }
0x129: {  	[tilespmem:s13+$0x20F0] =	vst.add.f32.msk $0xffff, v0  }
0x12a: {  	v0 =	vld [tilespmem:s13+$0x14CE0]  }
0x12b: {  	[tilespmem:s13+$0x2000] =	vst.add.f32.msk $0xffff, v1  }
0x12c: {  	[tilespmem:s13+$0x2010] =	vst.add.f32.msk $0xffff, v2  }
0x12d: {  	[tilespmem:s13+$0x2020] =	vst.add.f32.msk $0xffff, v3  }
0x12e: {  	[tilespmem:s13+$0x2030] =	vst.add.f32.msk $0xffff, v4  }
0x12f: {  	[tilespmem:s13+$0x2040] =	vst.add.f32.msk $0xffff, v5  }
0x130: {  	[tilespmem:s13+$0x2050] =	vst.add.f32.msk $0xffff, v6  }
0x131: {  	[tilespmem:s13+$0x2060] =	vst.add.f32.msk $0xffff, v7  }
0x132: {  	[tilespmem:s13+$0x2070] =	vst.add.f32.msk $0xffff, v8  }
0x133: {  	[tilespmem:s13+$0x2080] =	vst.add.f32.msk $0xffff, v9  }
0x134: {  	[tilespmem:s13+$0x2090] =	vst.add.f32.msk $0xffff, v10  }
0x135: {  	[tilespmem:s13+$0x20A0] =	vst.add.f32.msk $0xffff, v11  }
0x136: {  	[tilespmem:s13+$0x20B0] =	vst.add.f32.msk $0xffff, v12  }
0x137: {  	[tilespmem:s13+$0x20C0] =	vst.add.f32.msk $0xffff, v13  }
0x138: {  	s16 =	simm.s32 $0x0;
	s18 =	simm.s32 $0x400;
	[tilespmem:s13+$0x20D0] =	vst.add.f32.msk $0xffff, v14  }
.LBB2_10:
0x139: {  	s16 =	sadd.s32 $0x2, s16;
	[tilespmem:s13+$0x20E0] =	vst.add.f32.msk $0xffff, v0;
	s13 =	sshra.s32 s18, $0x2  }
0x13a: {  	v0 =	vld [tilespmem:s13+$0x14CF0];
	p0 =	slt.u32 s16, $0xC6  }
0x13b: {  	v1 =	vld [tilespmem:s13+$0x14C00]  }
0x13c: {  	v2 =	vld [tilespmem:s13+$0x14C10]  }
0x13d: {  	v3 =	vld [tilespmem:s13+$0x14C20]  }
0x13e: {  	v4 =	vld [tilespmem:s13+$0x14C30]  }
0x13f: {  	[tilespmem:s13+$0x20F0] =	vst.add.f32.msk $0xffff, v0  }
0x140: {  	v5 =	vld [tilespmem:s13+$0x14C40]  }
0x141: {  	v6 =	vld [tilespmem:s13+$0x14C50]  }
0x142: {  	v7 =	vld [tilespmem:s13+$0x14C60]  }
0x143: {  	v8 =	vld [tilespmem:s13+$0x14C70]  }
0x144: {  	v9 =	vld [tilespmem:s13+$0x14C80]  }
0x145: {  	v10 =	vld [tilespmem:s13+$0x14C90]  }
0x146: {  	v11 =	vld [tilespmem:s13+$0x14CA0]  }
0x147: {  	v12 =	vld [tilespmem:s13+$0x14CB0]  }
0x148: {  	v13 =	vld [tilespmem:s13+$0x14CC0]  }
0x149: {  	v14 =	vld [tilespmem:s13+$0x14CD0]  }
0x14a: {  	v0 =	vld [tilespmem:s13+$0x14CE0]  }
0x14b: {  	[tilespmem:s13+$0x2000] =	vst.add.f32.msk $0xffff, v1  }
0x14c: {  	[tilespmem:s13+$0x2010] =	vst.add.f32.msk $0xffff, v2  }
0x14d: {  	[tilespmem:s13+$0x2020] =	vst.add.f32.msk $0xffff, v3  }
0x14e: {  	[tilespmem:s13+$0x2030] =	vst.add.f32.msk $0xffff, v4  }
0x14f: {  	[tilespmem:s13+$0x2040] =	vst.add.f32.msk $0xffff, v5  }
0x150: {  	[tilespmem:s13+$0x2050] =	vst.add.f32.msk $0xffff, v6  }
0x151: {  	[tilespmem:s13+$0x2060] =	vst.add.f32.msk $0xffff, v7  }
0x152: {  	[tilespmem:s13+$0x2070] =	vst.add.f32.msk $0xffff, v8  }
0x153: {  	[tilespmem:s13+$0x2080] =	vst.add.f32.msk $0xffff, v9  }
.Ltmp4:
0x154: {  	[tilespmem:s13+$0x2090] =	vst.add.f32.msk $0xffff, v10;
	(pc) =	sbr.rel @p0 .LBB2_10-.Ltmp4, $4  }
0x155: {  	[tilespmem:s13+$0x20A0] =	vst.add.f32.msk $0xffff, v11  }
0x156: {  	[tilespmem:s13+$0x20B0] =	vst.add.f32.msk $0xffff, v12  }
0x157: {  	[tilespmem:s13+$0x20C0] =	vst.add.f32.msk $0xffff, v13  }
0x158: {  	s18 =	sadd.s32 $0x400, s18;
	[tilespmem:s13+$0x20D0] =	vst.add.f32.msk $0xffff, v14  }
0x159: {  	[tilespmem:s13+$0x20E0] =	vst.add.f32.msk $0xffff, v0;
	s25 =	simm.s32 $0x0  }
0x15a: {  	[hbm4b:s9+s25] =	stream.linear.scatter [tilespmem:s15], [sflag:$0x4], $0x6400, $0x38;
	[tilespmem:$0x1B000] =	vst v63  }
0x15b: {  	_ =	swait.ge [sflag:s28], $0x3200  }
0x15c: {  	[sflag:s28] =	ssyncset.done $0x0  }
0x15d: {  	[sflag:s28] =	ssyncadd.s32 $0xFFFFCE00  }
0x15e: {  	_ =	swait.ge [sflag:s28], $0x3200  }
0x15f: {  	[sflag:s28] =	ssyncset.done $0x0  }
0x160: {  	s13 =	simm.s32 $0x0;
	[sflag:s28] =	ssyncadd.s32 $0xFFFFCE00  }
0x161: {  	v0 =	vld [tilespmem:s13+$0x14CF0]  }
0x162: {  	v1 =	vld [tilespmem:s13+$0x14C00]  }
0x163: {  	v2 =	vld [tilespmem:s13+$0x14C10]  }
0x164: {  	v3 =	vld [tilespmem:s13+$0x14C20]  }
0x165: {  	v4 =	vld [tilespmem:s13+$0x14C30]  }
0x166: {  	v5 =	vld [tilespmem:s13+$0x14C40]  }
0x167: {  	v6 =	vld [tilespmem:s13+$0x14C50]  }
0x168: {  	v7 =	vld [tilespmem:s13+$0x14C60]  }
0x169: {  	v8 =	vld [tilespmem:s13+$0x14C70]  }
0x16a: {  	v9 =	vld [tilespmem:s13+$0x14C80]  }
0x16b: {  	v10 =	vld [tilespmem:s13+$0x14C90]  }
0x16c: {  	v11 =	vld [tilespmem:s13+$0x14CA0]  }
0x16d: {  	v12 =	vld [tilespmem:s13+$0x14CB0]  }
0x16e: {  	v13 =	vld [tilespmem:s13+$0x14CC0]  }
0x16f: {  	v14 =	vld [tilespmem:s13+$0x14CD0]  }
0x170: {  	[tilespmem:s13+$0x84F0] =	vst.add.f32.msk $0xffff, v0  }
0x171: {  	v0 =	vld [tilespmem:s13+$0x14CE0]  }
0x172: {  	[tilespmem:s13+$0x8400] =	vst.add.f32.msk $0xffff, v1  }
0x173: {  	[tilespmem:s13+$0x8410] =	vst.add.f32.msk $0xffff, v2  }
0x174: {  	[tilespmem:s13+$0x8420] =	vst.add.f32.msk $0xffff, v3  }
0x175: {  	[tilespmem:s13+$0x8430] =	vst.add.f32.msk $0xffff, v4  }
0x176: {  	[tilespmem:s13+$0x8440] =	vst.add.f32.msk $0xffff, v5  }
0x177: {  	[tilespmem:s13+$0x8450] =	vst.add.f32.msk $0xffff, v6  }
0x178: {  	[tilespmem:s13+$0x8460] =	vst.add.f32.msk $0xffff, v7  }
0x179: {  	[tilespmem:s13+$0x8470] =	vst.add.f32.msk $0xffff, v8  }
0x17a: {  	[tilespmem:s13+$0x8480] =	vst.add.f32.msk $0xffff, v9  }
0x17b: {  	[tilespmem:s13+$0x8490] =	vst.add.f32.msk $0xffff, v10  }
0x17c: {  	[tilespmem:s13+$0x84A0] =	vst.add.f32.msk $0xffff, v11  }
0x17d: {  	[tilespmem:s13+$0x84B0] =	vst.add.f32.msk $0xffff, v12  }
0x17e: {  	[tilespmem:s13+$0x84C0] =	vst.add.f32.msk $0xffff, v13  }
0x17f: {  	s16 =	simm.s32 $0x0;
	s18 =	simm.s32 $0x400;
	[tilespmem:s13+$0x84D0] =	vst.add.f32.msk $0xffff, v14  }
.LBB2_12:
0x180: {  	s16 =	sadd.s32 $0x2, s16;
	[tilespmem:s13+$0x84E0] =	vst.add.f32.msk $0xffff, v0;
	s13 =	sshra.s32 s18, $0x2  }
0x181: {  	v0 =	vld [tilespmem:s13+$0x14CF0];
	p0 =	slt.u32 s16, $0xC6  }
0x182: {  	v1 =	vld [tilespmem:s13+$0x14C00]  }
0x183: {  	v2 =	vld [tilespmem:s13+$0x14C10]  }
0x184: {  	v3 =	vld [tilespmem:s13+$0x14C20]  }
0x185: {  	v4 =	vld [tilespmem:s13+$0x14C30]  }
0x186: {  	[tilespmem:s13+$0x84F0] =	vst.add.f32.msk $0xffff, v0  }
0x187: {  	v5 =	vld [tilespmem:s13+$0x14C40]  }
0x188: {  	v6 =	vld [tilespmem:s13+$0x14C50]  }
0x189: {  	v7 =	vld [tilespmem:s13+$0x14C60]  }
0x18a: {  	v8 =	vld [tilespmem:s13+$0x14C70]  }
0x18b: {  	v9 =	vld [tilespmem:s13+$0x14C80]  }
0x18c: {  	v10 =	vld [tilespmem:s13+$0x14C90]  }
0x18d: {  	v11 =	vld [tilespmem:s13+$0x14CA0]  }
0x18e: {  	v12 =	vld [tilespmem:s13+$0x14CB0]  }
0x18f: {  	v13 =	vld [tilespmem:s13+$0x14CC0]  }
0x190: {  	v14 =	vld [tilespmem:s13+$0x14CD0]  }
0x191: {  	v0 =	vld [tilespmem:s13+$0x14CE0]  }
0x192: {  	[tilespmem:s13+$0x8400] =	vst.add.f32.msk $0xffff, v1  }
0x193: {  	[tilespmem:s13+$0x8410] =	vst.add.f32.msk $0xffff, v2  }
0x194: {  	[tilespmem:s13+$0x8420] =	vst.add.f32.msk $0xffff, v3  }
0x195: {  	[tilespmem:s13+$0x8430] =	vst.add.f32.msk $0xffff, v4  }
0x196: {  	[tilespmem:s13+$0x8440] =	vst.add.f32.msk $0xffff, v5  }
0x197: {  	[tilespmem:s13+$0x8450] =	vst.add.f32.msk $0xffff, v6  }
0x198: {  	[tilespmem:s13+$0x8460] =	vst.add.f32.msk $0xffff, v7  }
0x199: {  	[tilespmem:s13+$0x8470] =	vst.add.f32.msk $0xffff, v8  }
0x19a: {  	[tilespmem:s13+$0x8480] =	vst.add.f32.msk $0xffff, v9  }
.Ltmp5:
0x19b: {  	[tilespmem:s13+$0x8490] =	vst.add.f32.msk $0xffff, v10;
	(pc) =	sbr.rel @p0 .LBB2_12-.Ltmp5, $4  }
0x19c: {  	[tilespmem:s13+$0x84A0] =	vst.add.f32.msk $0xffff, v11  }
0x19d: {  	[tilespmem:s13+$0x84B0] =	vst.add.f32.msk $0xffff, v12  }
0x19e: {  	[tilespmem:s13+$0x84C0] =	vst.add.f32.msk $0xffff, v13  }
0x19f: {  	s18 =	sadd.s32 $0x400, s18;
	[tilespmem:s13+$0x84D0] =	vst.add.f32.msk $0xffff, v14  }
0x1a0: {  	[tilespmem:s13+$0x84E0] =	vst.add.f32.msk $0xffff, v0  }
0x1a1: {  	[hbm4b:s10+s4] =	stream.linear.scatter [tilespmem:s19], [sflag:$0x5], $0x6400, $0x38;
	[tilespmem:$0x1B000] =	vst v63  }
0x1a2: {  	_ =	swait.ge [sflag:s0], $0x6400  }
0x1a3: {  	[sflag:s0] =	ssyncset.done $0x0  }
0x1a4: {  	s2 =	sadd.s32 $0x1, s2;
	[sflag:s0] =	ssyncadd.s32 $0xFFFF9C00  }
0x1a5: {  	p0 =	sne.s32 s2, s11;
	_ =	swait.ge [sflag:s29], $0x6400  }
.Ltmp6:
0x1a6: {  	[sflag:s29] =	ssyncset.done $0x0;
	(pc) =	sbr.rel @p0 .LBB2_1-.Ltmp6, $4  }
0x1a7: {  	[sflag:s29] =	ssyncadd.s32 $0xFFFF9C00  }
0x1a8: {  	_ =	swait.ge [sflag:s31], $0x6400  }
0x1a9: {  	[sflag:s31] =	ssyncset.done $0x0  }
0x1aa: {  	[sflag:s31] =	ssyncadd.s32 $0xFFFF9C00  }
0x1ab: {  	_ =	sfence.sel $0x180000  }
0x1ac: {  	[bflag:$0x0] =	sbarrier.arrive $0xFFFF  }
0x1ad: {  	_ =	strace $0x90000047  }
0x1ae: {  	s0 =	stileid.u32;
	[bflag:$0x2] =	sbarrier.arrive $0xFFFF  }
0x1af: {  	p0 =	sne.s32 s0, $0x0;
	s0 =	rddreg [dreg:$0x3]  }
0x1b0: {  	s0 =	sadd.s32 @!p0 $0x100000, s0  }
0x1b1: {  	[sflag:s0] =	ssyncadd.tile.s32 @!p0 $0x1;
	_ =	shalt  }
.Lfunc_end2:
_tile_overlayer_lowered:
.L_overlay_start_2:
0x1b2: {  	(tag) =	ssettag $0x2  }
0x1b3: {  	s0 =	rddreg [dreg:$0x0];
	s2 =	stileid.u32  }
0x1b4: {  	s1 =	rddreg [dreg:$0x1];
	p0 =	sne.s32 s2, $0x0  }
0x1b5: {  	s3 =	rddreg [dreg:$0x2];
	[bflag:$0x3] =	sbarrier.arrive $0xFFFF;
	s2 =	simm.s32 @!p0 $0x1C07  }
0x1b6: {  	[timem:s3], [sflag:s2] =	dma.local @!p0 [hbm:s0], s1  }
0x1b7: {  	s0 =	simm.s32 @!p0 $0x7  }
0x1b8: {  	_ =	swait.ge @!p0 [sflag:s0], s1  }
0x1b9: {  	s1 =	ssub.s32 @!p0 $0x0, s1;
	[sflag:s0] =	ssyncset.done @!p0 $0x0  }
0x1ba: {  	[sflag:s0] =	ssyncadd.s32 @!p0 s1  }
0x1bb: {  	[bflag:$0x3] =	sbarrier.arrive $0xFFFF  }
0x1bc: {  	_ =	shalt  }

</sc_bundles>
